<compile_context>
chip_gen: v7x
topology: tpu7x:2x2x1
jax: 0.10.2.dev20260603
libtpu: 0.0.44.dev20260713+nightly
codegen_flags: <defaults>
</compile_context>

<pallas_src>
import functools

import jax
import jax.numpy as jnp
from jax import lax
from jax.experimental import pallas as pl
from jax.experimental.pallas import tpu as pltpu
from jax.experimental.pallas import tpu_sc as plsc

NC = 2
NS = 16
NW = NC * NS

HIDDEN = 128
N_ROWS = 4096 * 200
ROWS_PER_W = N_ROWS // NW
CHUNK = 128
N_CHUNKS = ROWS_PER_W // CHUNK
D = 5


def _emb_body(table_hbm, idx_hbm, out_hbm, idx_v, rows_v, *sems):
    gsem = sems[:D]
    osem = sems[D:]
    wid = lax.axis_index("s") * NC + lax.axis_index("c")
    base = wid * ROWS_PER_W
    pltpu.sync_copy(idx_hbm.at[pl.ds(base, ROWS_PER_W)], idx_v)

    def fire_g(i, slot):
        pltpu.async_copy(
            table_hbm.at[idx_v.at[pl.ds(i * CHUNK, CHUNK)]],
            rows_v.at[pl.ds(slot * CHUNK, CHUNK)],
            gsem[slot],
        )

    def wait_g(slot):
        pltpu.make_async_copy(
            table_hbm.at[idx_v.at[pl.ds(0, CHUNK)]],
            rows_v.at[pl.ds(slot * CHUNK, CHUNK)],
            gsem[slot],
        ).wait()

    def fire_o(i, slot):
        pltpu.async_copy(
            rows_v.at[pl.ds(slot * CHUNK, CHUNK)],
            out_hbm.at[pl.ds(base + i * CHUNK, CHUNK)],
            osem[slot],
        )

    def wait_o(slot):
        pltpu.make_async_copy(
            rows_v.at[pl.ds(slot * CHUNK, CHUNK)],
            out_hbm.at[pl.ds(base, CHUNK)],
            osem[slot],
        ).wait()

    for b in range(D):
        fire_g(b, b)
    for b in range(D - 1):
        wait_g(b)
        fire_o(b, b)

    def body(j, carry):
        i0 = D + j * D
        for b in range(D):
            i = i0 + b
            wait_o(b)
            fire_g(i, b)
            q = (b - 1) % D
            wait_g(q)
            fire_o(i - 1, q)
        return carry

    lax.fori_loop(0, (N_CHUNKS - D) // D, body, 0)

    last = (N_CHUNKS - 1) % D
    wait_g(last)
    fire_o(N_CHUNKS - 1, last)
    for b in range(D):
        wait_o(b)


@jax.jit
def _embed(x_flat, token_table):
    k = functools.partial(
        pl.kernel,
        mesh=plsc.VectorSubcoreMesh(core_axis_name="c", subcore_axis_name="s"),
        out_type=jax.ShapeDtypeStruct((N_ROWS, HIDDEN), jnp.float32),
        scratch_types=[
            pltpu.VMEM((ROWS_PER_W,), jnp.int32),
            pltpu.VMEM((D * CHUNK, HIDDEN), jnp.float32),
        ]
        + [pltpu.SemaphoreType.DMA] * (2 * D),
    )(_emb_body)
    return k(token_table, x_flat)


def kernel(x, token_table):
    b, s = x.shape
    out = _embed(x.reshape(-1), token_table)
    return out.reshape(b, s, HIDDEN)

# --- scband reference (transcript-rebuilt; emitter-appended) ---
"""Pipeline reference for scband-embeddings-35905926595074 (READ-ONLY COPY).

The authoritative reference and input builder live on the scoring server;
editing this copy changes nothing except your own understanding.
"""

import jax, jax.numpy as jnp
import numpy as np

VOCAB = 100000
HIDDEN = 128
BATCH = 4096
SEQ = 200

def setup_inputs(seed: int = 0) -> dict:
    key = jax.random.key(seed)
    k_idx, k_tab = jax.random.split(key)
    x = jax.random.randint(k_idx, (BATCH, SEQ), 0, VOCAB, dtype=jnp.int32)
    token_table = jax.random.normal(k_tab, (VOCAB, HIDDEN), dtype=jnp.float32) * 0.02
    return {"x": x, "token_table": token_table}

def reference(x, token_table):
    # Embeddings.forward: token_embedding(x); ape=False so no positional add;
    # dropout is identity in eval mode.
    out = jnp.take(token_table, x, axis=0)
    return out

if __name__ == "__main__":
    import jax
    _d = setup_inputs()
    print(jax.jit(kernel)(*tuple(_d.values())))

</pallas_src>

<mosaic_0001>
#map = affine_map<(d0, d1) -> (0, 0)>
#map1 = affine_map<(d0, d1) -> (0)>
module attributes {stable_mosaic.version = 14 : i64} {
  func.func @_emb_body(%arg0: i32, %arg1: i32, %arg2: memref<100000x128xf32, #tpu.memory_space<hbm>>, %arg3: memref<819200xi32, #tpu.memory_space<hbm>>, %arg4: memref<819200x128xf32, #tpu.memory_space<hbm>>, %arg5: memref<25600xi32, #tpu.memory_space<vmem>>, %arg6: memref<640x128xf32, #tpu.memory_space<vmem>>, %arg7: memref<!tpu.dma_semaphore, #tpu.memory_space<semaphore_mem>>, %arg8: memref<!tpu.dma_semaphore, #tpu.memory_space<semaphore_mem>>, %arg9: memref<!tpu.dma_semaphore, #tpu.memory_space<semaphore_mem>>, %arg10: memref<!tpu.dma_semaphore, #tpu.memory_space<semaphore_mem>>, %arg11: memref<!tpu.dma_semaphore, #tpu.memory_space<semaphore_mem>>, %arg12: memref<!tpu.dma_semaphore, #tpu.memory_space<semaphore_mem>>, %arg13: memref<!tpu.dma_semaphore, #tpu.memory_space<semaphore_mem>>, %arg14: memref<!tpu.dma_semaphore, #tpu.memory_space<semaphore_mem>>, %arg15: memref<!tpu.dma_semaphore, #tpu.memory_space<semaphore_mem>>, %arg16: memref<!tpu.dma_semaphore, #tpu.memory_space<semaphore_mem>>) attributes {dimension_semantics = [#tpu.dimension_semantics<core_parallel>, #tpu.dimension_semantics<subcore_parallel>], iteration_bounds = array<i64: 2, 16>, scalar_prefetch = 0 : i64, scratch_operands = 12 : i64, tpu.core_type = #tpu.core_type<sc_vector_subcore>, window_params = [{transform_indices = #map}, {transform_indices = #map1}, {transform_indices = #map}]} {
    %mul3A = arith.constant 2 : i32
    %mul3A_0 = arith.muli %arg1, %mul3A : i32
    %add3A = arith.addi %mul3A_0, %arg0 : i32
    %mul3A_1 = arith.constant 25600 : i32
    %mul3A_2 = arith.muli %add3A, %mul3A_1 : i32
    "tpu.region"() ({
      %run_scoped3A = tpu.sem_alloc : memref<!tpu.dma_semaphore, #tpu.memory_space<semaphore_mem>>
      %dma_start3A_196 = tpu.memref_slice %arg3[%mul3A_2] : memref<819200xi32, #tpu.memory_space<hbm>> -> memref<25600xi32, #tpu.memory_space<hbm>>
      %dma_start3A_197 = tpu.memref_slice %arg3[%mul3A_2] : memref<819200xi32, #tpu.memory_space<hbm>> -> memref<25600xi32, #tpu.memory_space<hbm>>
      tpu.enqueue_dma source(%dma_start3A_197 : memref<25600xi32, #tpu.memory_space<hbm>>) target(%arg5 : memref<25600xi32, #tpu.memory_space<vmem>>) target_semaphore(%run_scoped3A : memref<!tpu.dma_semaphore, #tpu.memory_space<semaphore_mem>>)
      %dma_wait3A_198 = tpu.memref_slice %arg3[%mul3A_2] : memref<819200xi32, #tpu.memory_space<hbm>> -> memref<25600xi32, #tpu.memory_space<hbm>>
      %dma_wait3A_199 = tpu.memref_slice %arg3[%mul3A_2] : memref<819200xi32, #tpu.memory_space<hbm>> -> memref<25600xi32, #tpu.memory_space<hbm>>
      tpu.wait_dma2 semaphore(%run_scoped3A : memref<!tpu.dma_semaphore, #tpu.memory_space<semaphore_mem>>) src(%dma_wait3A_199 : memref<25600xi32, #tpu.memory_space<hbm>>) dst(%arg5 : memref<25600xi32, #tpu.memory_space<vmem>>)
      tpu.yield
    }) : () -> ()
    %dma_start3A = arith.constant 0 : i32
    %dma_start3A_3 = arith.constant 0 : i32
    %dma_start3A_4 = tpu.memref_slice %arg6[%dma_start3A, %dma_start3A_3] : memref<640x128xf32, #tpu.memory_space<vmem>> -> memref<128x128xf32, #tpu.memory_space<vmem>>
    %dma_start3A_5 = arith.constant 0 : i32
    %dma_start3A_6 = tpu.memref_slice %arg5[%dma_start3A_5] : memref<25600xi32, #tpu.memory_space<vmem>> -> memref<128xi32, #tpu.memory_space<vmem>>
    %dma_start3A_7 = arith.constant 0 : i32
    %dma_start3A_8 = arith.constant 0 : i32
    %dma_start3A_9 = tpu.memref_slice %arg2[%dma_start3A_7, %dma_start3A_8] : memref<100000x128xf32, #tpu.memory_space<hbm>> -> memref<100000x128xf32, #tpu.memory_space<hbm>>
    tpu.enqueue_indirect_dma source(%dma_start3A_9 : memref<100000x128xf32, #tpu.memory_space<hbm>>) target(%dma_start3A_4 : memref<128x128xf32, #tpu.memory_space<vmem>>) offsets(%dma_start3A_6 : memref<128xi32, #tpu.memory_space<vmem>>) semaphore(%arg7 : memref<!tpu.dma_semaphore, #tpu.memory_space<semaphore_mem>>)
    %dma_start3A_10 = arith.constant 128 : i32
    %dma_start3A_11 = arith.constant 0 : i32
    %dma_start3A_12 = tpu.memref_slice %arg6[%dma_start3A_10, %dma_start3A_11] : memref<640x128xf32, #tpu.memory_space<vmem>> -> memref<128x128xf32, #tpu.memory_space<vmem>>
    %dma_start3A_13 = arith.constant 128 : i32
    %dma_start3A_14 = tpu.memref_slice %arg5[%dma_start3A_13] : memref<25600xi32, #tpu.memory_space<vmem>> -> memref<128xi32, #tpu.memory_space<vmem>>
    %dma_start3A_15 = arith.constant 0 : i32
    %dma_start3A_16 = arith.constant 0 : i32
    %dma_start3A_17 = tpu.memref_slice %arg2[%dma_start3A_15, %dma_start3A_16] : memref<100000x128xf32, #tpu.memory_space<hbm>> -> memref<100000x128xf32, #tpu.memory_space<hbm>>
    tpu.enqueue_indirect_dma source(%dma_start3A_17 : memref<100000x128xf32, #tpu.memory_space<hbm>>) target(%dma_start3A_12 : memref<128x128xf32, #tpu.memory_space<vmem>>) offsets(%dma_start3A_14 : memref<128xi32, #tpu.memory_space<vmem>>) semaphore(%arg8 : memref<!tpu.dma_semaphore, #tpu.memory_space<semaphore_mem>>)
    %dma_start3A_18 = arith.constant 256 : i32
    %dma_start3A_19 = arith.constant 0 : i32
    %dma_start3A_20 = tpu.memref_slice %arg6[%dma_start3A_18, %dma_start3A_19] : memref<640x128xf32, #tpu.memory_space<vmem>> -> memref<128x128xf32, #tpu.memory_space<vmem>>
    %dma_start3A_21 = arith.constant 256 : i32
    %dma_start3A_22 = tpu.memref_slice %arg5[%dma_start3A_21] : memref<25600xi32, #tpu.memory_space<vmem>> -> memref<128xi32, #tpu.memory_space<vmem>>
    %dma_start3A_23 = arith.constant 0 : i32
    %dma_start3A_24 = arith.constant 0 : i32
    %dma_start3A_25 = tpu.memref_slice %arg2[%dma_start3A_23, %dma_start3A_24] : memref<100000x128xf32, #tpu.memory_space<hbm>> -> memref<100000x128xf32, #tpu.memory_space<hbm>>
    tpu.enqueue_indirect_dma source(%dma_start3A_25 : memref<100000x128xf32, #tpu.memory_space<hbm>>) target(%dma_start3A_20 : memref<128x128xf32, #tpu.memory_space<vmem>>) offsets(%dma_start3A_22 : memref<128xi32, #tpu.memory_space<vmem>>) semaphore(%arg9 : memref<!tpu.dma_semaphore, #tpu.memory_space<semaphore_mem>>)
    %dma_start3A_26 = arith.constant 384 : i32
    %dma_start3A_27 = arith.constant 0 : i32
    %dma_start3A_28 = tpu.memref_slice %arg6[%dma_start3A_26, %dma_start3A_27] : memref<640x128xf32, #tpu.memory_space<vmem>> -> memref<128x128xf32, #tpu.memory_space<vmem>>
    %dma_start3A_29 = arith.constant 384 : i32
    %dma_start3A_30 = tpu.memref_slice %arg5[%dma_start3A_29] : memref<25600xi32, #tpu.memory_space<vmem>> -> memref<128xi32, #tpu.memory_space<vmem>>
    %dma_start3A_31 = arith.constant 0 : i32
    %dma_start3A_32 = arith.constant 0 : i32
    %dma_start3A_33 = tpu.memref_slice %arg2[%dma_start3A_31, %dma_start3A_32] : memref<100000x128xf32, #tpu.memory_space<hbm>> -> memref<100000x128xf32, #tpu.memory_space<hbm>>
    tpu.enqueue_indirect_dma source(%dma_start3A_33 : memref<100000x128xf32, #tpu.memory_space<hbm>>) target(%dma_start3A_28 : memref<128x128xf32, #tpu.memory_space<vmem>>) offsets(%dma_start3A_30 : memref<128xi32, #tpu.memory_space<vmem>>) semaphore(%arg10 : memref<!tpu.dma_semaphore, #tpu.memory_space<semaphore_mem>>)
    %dma_start3A_34 = arith.constant 512 : i32
    %dma_start3A_35 = arith.constant 0 : i32
    %dma_start3A_36 = tpu.memref_slice %arg6[%dma_start3A_34, %dma_start3A_35] : memref<640x128xf32, #tpu.memory_space<vmem>> -> memref<128x128xf32, #tpu.memory_space<vmem>>
    %dma_start3A_37 = arith.constant 512 : i32
    %dma_start3A_38 = tpu.memref_slice %arg5[%dma_start3A_37] : memref<25600xi32, #tpu.memory_space<vmem>> -> memref<128xi32, #tpu.memory_space<vmem>>
    %dma_start3A_39 = arith.constant 0 : i32
    %dma_start3A_40 = arith.constant 0 : i32
    %dma_start3A_41 = tpu.memref_slice %arg2[%dma_start3A_39, %dma_start3A_40] : memref<100000x128xf32, #tpu.memory_space<hbm>> -> memref<100000x128xf32, #tpu.memory_space<hbm>>
    tpu.enqueue_indirect_dma source(%dma_start3A_41 : memref<100000x128xf32, #tpu.memory_space<hbm>>) target(%dma_start3A_36 : memref<128x128xf32, #tpu.memory_space<vmem>>) offsets(%dma_start3A_38 : memref<128xi32, #tpu.memory_space<vmem>>) semaphore(%arg11 : memref<!tpu.dma_semaphore, #tpu.memory_space<semaphore_mem>>)
    %dma_wait3A = arith.constant 0 : i32
    %dma_wait3A_42 = arith.constant 0 : i32
    %dma_wait3A_43 = tpu.memref_slice %arg6[%dma_wait3A, %dma_wait3A_42] : memref<640x128xf32, #tpu.memory_space<vmem>> -> memref<128x128xf32, #tpu.memory_space<vmem>>
    %dma_wait3A_44 = arith.constant 0 : i32
    %dma_wait3A_45 = tpu.memref_slice %arg5[%dma_wait3A_44] : memref<25600xi32, #tpu.memory_space<vmem>> -> memref<128xi32, #tpu.memory_space<vmem>>
    %dma_wait3A_46 = arith.constant 0 : i32
    %dma_wait3A_47 = arith.constant 0 : i32
    %dma_wait3A_48 = tpu.memref_slice %arg2[%dma_wait3A_46, %dma_wait3A_47] : memref<100000x128xf32, #tpu.memory_space<hbm>> -> memref<100000x128xf32, #tpu.memory_space<hbm>>
    tpu.wait_indirect_dma semaphore(%arg7 : memref<!tpu.dma_semaphore, #tpu.memory_space<semaphore_mem>>) src(%dma_wait3A_48 : memref<100000x128xf32, #tpu.memory_space<hbm>>) dst(%dma_wait3A_43 : memref<128x128xf32, #tpu.memory_space<vmem>>)
    %add3A_49 = arith.constant 0 : i32
    %add3A_50 = arith.addi %mul3A_2, %add3A_49 : i32
    %dma_start3A_51 = arith.constant 0 : i32
    %dma_start3A_52 = arith.constant 0 : i32
    %dma_start3A_53 = tpu.memref_slice %arg6[%dma_start3A_51, %dma_start3A_52] : memref<640x128xf32, #tpu.memory_space<vmem>> -> memref<128x128xf32, #tpu.memory_space<vmem>>
    %dma_start3A_54 = arith.constant 0 : i32
    %dma_start3A_55 = tpu.memref_slice %arg4[%add3A_50, %dma_start3A_54] : memref<819200x128xf32, #tpu.memory_space<hbm>> -> memref<128x128xf32, #tpu.memory_space<hbm>>
    %dma_start3A_56 = arith.constant 0 : i32
    %dma_start3A_57 = tpu.memref_slice %arg4[%add3A_50, %dma_start3A_56] : memref<819200x128xf32, #tpu.memory_space<hbm>> -> memref<128x128xf32, #tpu.memory_space<hbm>>
    %dma_start3A_58 = arith.constant 0 : i32
    %dma_start3A_59 = arith.constant 0 : i32
    %dma_start3A_60 = tpu.memref_slice %arg6[%dma_start3A_58, %dma_start3A_59] : memref<640x128xf32, #tpu.memory_space<vmem>> -> memref<128x128xf32, #tpu.memory_space<vmem>>
    tpu.enqueue_dma source(%dma_start3A_60 : memref<128x128xf32, #tpu.memory_space<vmem>>) target(%dma_start3A_57 : memref<128x128xf32, #tpu.memory_space<hbm>>) target_semaphore(%arg12 : memref<!tpu.dma_semaphore, #tpu.memory_space<semaphore_mem>>)
    %dma_wait3A_61 = arith.constant 128 : i32
    %dma_wait3A_62 = arith.constant 0 : i32
    %dma_wait3A_63 = tpu.memref_slice %arg6[%dma_wait3A_61, %dma_wait3A_62] : memref<640x128xf32, #tpu.memory_space<vmem>> -> memref<128x128xf32, #tpu.memory_space<vmem>>
    %dma_wait3A_64 = arith.constant 0 : i32
    %dma_wait3A_65 = tpu.memref_slice %arg5[%dma_wait3A_64] : memref<25600xi32, #tpu.memory_space<vmem>> -> memref<128xi32, #tpu.memory_space<vmem>>
    %dma_wait3A_66 = arith.constant 0 : i32
    %dma_wait3A_67 = arith.constant 0 : i32
    %dma_wait3A_68 = tpu.memref_slice %arg2[%dma_wait3A_66, %dma_wait3A_67] : memref<100000x128xf32, #tpu.memory_space<hbm>> -> memref<100000x128xf32, #tpu.memory_space<hbm>>
    tpu.wait_indirect_dma semaphore(%arg8 : memref<!tpu.dma_semaphore, #tpu.memory_space<semaphore_mem>>) src(%dma_wait3A_68 : memref<100000x128xf32, #tpu.memory_space<hbm>>) dst(%dma_wait3A_63 : memref<128x128xf32, #tpu.memory_space<vmem>>)
    %add3A_69 = arith.constant 128 : i32
    %add3A_70 = arith.addi %mul3A_2, %add3A_69 : i32
    %dma_start3A_71 = arith.constant 128 : i32
    %dma_start3A_72 = arith.constant 0 : i32
    %dma_start3A_73 = tpu.memref_slice %arg6[%dma_start3A_71, %dma_start3A_72] : memref<640x128xf32, #tpu.memory_space<vmem>> -> memref<128x128xf32, #tpu.memory_space<vmem>>
    %dma_start3A_74 = arith.constant 0 : i32
    %dma_start3A_75 = tpu.memref_slice %arg4[%add3A_70, %dma_start3A_74] : memref<819200x128xf32, #tpu.memory_space<hbm>> -> memref<128x128xf32, #tpu.memory_space<hbm>>
    %dma_start3A_76 = arith.constant 0 : i32
    %dma_start3A_77 = tpu.memref_slice %arg4[%add3A_70, %dma_start3A_76] : memref<819200x128xf32, #tpu.memory_space<hbm>> -> memref<128x128xf32, #tpu.memory_space<hbm>>
    %dma_start3A_78 = arith.constant 128 : i32
    %dma_start3A_79 = arith.constant 0 : i32
    %dma_start3A_80 = tpu.memref_slice %arg6[%dma_start3A_78, %dma_start3A_79] : memref<640x128xf32, #tpu.memory_space<vmem>> -> memref<128x128xf32, #tpu.memory_space<vmem>>
    tpu.enqueue_dma source(%dma_start3A_80 : memref<128x128xf32, #tpu.memory_space<vmem>>) target(%dma_start3A_77 : memref<128x128xf32, #tpu.memory_space<hbm>>) target_semaphore(%arg13 : memref<!tpu.dma_semaphore, #tpu.memory_space<semaphore_mem>>)
    %dma_wait3A_81 = arith.constant 256 : i32
    %dma_wait3A_82 = arith.constant 0 : i32
    %dma_wait3A_83 = tpu.memref_slice %arg6[%dma_wait3A_81, %dma_wait3A_82] : memref<640x128xf32, #tpu.memory_space<vmem>> -> memref<128x128xf32, #tpu.memory_space<vmem>>
    %dma_wait3A_84 = arith.constant 0 : i32
    %dma_wait3A_85 = tpu.memref_slice %arg5[%dma_wait3A_84] : memref<25600xi32, #tpu.memory_space<vmem>> -> memref<128xi32, #tpu.memory_space<vmem>>
    %dma_wait3A_86 = arith.constant 0 : i32
    %dma_wait3A_87 = arith.constant 0 : i32
    %dma_wait3A_88 = tpu.memref_slice %arg2[%dma_wait3A_86, %dma_wait3A_87] : memref<100000x128xf32, #tpu.memory_space<hbm>> -> memref<100000x128xf32, #tpu.memory_space<hbm>>
    tpu.wait_indirect_dma semaphore(%arg9 : memref<!tpu.dma_semaphore, #tpu.memory_space<semaphore_mem>>) src(%dma_wait3A_88 : memref<100000x128xf32, #tpu.memory_space<hbm>>) dst(%dma_wait3A_83 : memref<128x128xf32, #tpu.memory_space<vmem>>)
    %add3A_89 = arith.constant 256 : i32
    %add3A_90 = arith.addi %mul3A_2, %add3A_89 : i32
    %dma_start3A_91 = arith.constant 256 : i32
    %dma_start3A_92 = arith.constant 0 : i32
    %dma_start3A_93 = tpu.memref_slice %arg6[%dma_start3A_91, %dma_start3A_92] : memref<640x128xf32, #tpu.memory_space<vmem>> -> memref<128x128xf32, #tpu.memory_space<vmem>>
    %dma_start3A_94 = arith.constant 0 : i32
    %dma_start3A_95 = tpu.memref_slice %arg4[%add3A_90, %dma_start3A_94] : memref<819200x128xf32, #tpu.memory_space<hbm>> -> memref<128x128xf32, #tpu.memory_space<hbm>>
    %dma_start3A_96 = arith.constant 0 : i32
    %dma_start3A_97 = tpu.memref_slice %arg4[%add3A_90, %dma_start3A_96] : memref<819200x128xf32, #tpu.memory_space<hbm>> -> memref<128x128xf32, #tpu.memory_space<hbm>>
    %dma_start3A_98 = arith.constant 256 : i32
    %dma_start3A_99 = arith.constant 0 : i32
    %dma_start3A_100 = tpu.memref_slice %arg6[%dma_start3A_98, %dma_start3A_99] : memref<640x128xf32, #tpu.memory_space<vmem>> -> memref<128x128xf32, #tpu.memory_space<vmem>>
    tpu.enqueue_dma source(%dma_start3A_100 : memref<128x128xf32, #tpu.memory_space<vmem>>) target(%dma_start3A_97 : memref<128x128xf32, #tpu.memory_space<hbm>>) target_semaphore(%arg14 : memref<!tpu.dma_semaphore, #tpu.memory_space<semaphore_mem>>)
    %dma_wait3A_101 = arith.constant 384 : i32
    %dma_wait3A_102 = arith.constant 0 : i32
    %dma_wait3A_103 = tpu.memref_slice %arg6[%dma_wait3A_101, %dma_wait3A_102] : memref<640x128xf32, #tpu.memory_space<vmem>> -> memref<128x128xf32, #tpu.memory_space<vmem>>
    %dma_wait3A_104 = arith.constant 0 : i32
    %dma_wait3A_105 = tpu.memref_slice %arg5[%dma_wait3A_104] : memref<25600xi32, #tpu.memory_space<vmem>> -> memref<128xi32, #tpu.memory_space<vmem>>
    %dma_wait3A_106 = arith.constant 0 : i32
    %dma_wait3A_107 = arith.constant 0 : i32
    %dma_wait3A_108 = tpu.memref_slice %arg2[%dma_wait3A_106, %dma_wait3A_107] : memref<100000x128xf32, #tpu.memory_space<hbm>> -> memref<100000x128xf32, #tpu.memory_space<hbm>>
    tpu.wait_indirect_dma semaphore(%arg10 : memref<!tpu.dma_semaphore, #tpu.memory_space<semaphore_mem>>) src(%dma_wait3A_108 : memref<100000x128xf32, #tpu.memory_space<hbm>>) dst(%dma_wait3A_103 : memref<128x128xf32, #tpu.memory_space<vmem>>)
    %add3A_109 = arith.constant 384 : i32
    %add3A_110 = arith.addi %mul3A_2, %add3A_109 : i32
    %dma_start3A_111 = arith.constant 384 : i32
    %dma_start3A_112 = arith.constant 0 : i32
    %dma_start3A_113 = tpu.memref_slice %arg6[%dma_start3A_111, %dma_start3A_112] : memref<640x128xf32, #tpu.memory_space<vmem>> -> memref<128x128xf32, #tpu.memory_space<vmem>>
    %dma_start3A_114 = arith.constant 0 : i32
    %dma_start3A_115 = tpu.memref_slice %arg4[%add3A_110, %dma_start3A_114] : memref<819200x128xf32, #tpu.memory_space<hbm>> -> memref<128x128xf32, #tpu.memory_space<hbm>>
    %dma_start3A_116 = arith.constant 0 : i32
    %dma_start3A_117 = tpu.memref_slice %arg4[%add3A_110, %dma_start3A_116] : memref<819200x128xf32, #tpu.memory_space<hbm>> -> memref<128x128xf32, #tpu.memory_space<hbm>>
    %dma_start3A_118 = arith.constant 384 : i32
    %dma_start3A_119 = arith.constant 0 : i32
    %dma_start3A_120 = tpu.memref_slice %arg6[%dma_start3A_118, %dma_start3A_119] : memref<640x128xf32, #tpu.memory_space<vmem>> -> memref<128x128xf32, #tpu.memory_space<vmem>>
    tpu.enqueue_dma source(%dma_start3A_120 : memref<128x128xf32, #tpu.memory_space<vmem>>) target(%dma_start3A_117 : memref<128x128xf32, #tpu.memory_space<hbm>>) target_semaphore(%arg15 : memref<!tpu.dma_semaphore, #tpu.memory_space<semaphore_mem>>)
    %scan3A = arith.constant 0 : i32
    %scan3A_121 = arith.constant 0 : i32
    %scan3A_122 = arith.constant 39 : i32
    %scan3A_123 = arith.addi %scan3A_121, %scan3A_122 : i32
    %scan3A_124 = arith.constant 1 : i32
    scf.for %scan3A_196 = %scan3A_121 to %scan3A_123 step %scan3A_124  : i32 {
      %mul3A_197 = arith.constant 5 : i32
      %mul3A_198 = arith.muli %scan3A_196, %mul3A_197 : i32
      %add3A_199 = arith.constant 5 : i32
      %add3A_200 = arith.addi %add3A_199, %mul3A_198 : i32
      %add3A_201 = arith.constant 0 : i32
      %add3A_202 = arith.addi %add3A_200, %add3A_201 : i32
      %dma_wait3A_203 = arith.constant 0 : i32
      %dma_wait3A_204 = arith.constant 0 : i32
      %dma_wait3A_205 = tpu.memref_slice %arg6[%dma_wait3A_203, %dma_wait3A_204] : memref<640x128xf32, #tpu.memory_space<vmem>> -> memref<128x128xf32, #tpu.memory_space<vmem>>
      %dma_wait3A_206 = arith.constant 0 : i32
      %dma_wait3A_207 = tpu.memref_slice %arg4[%mul3A_2, %dma_wait3A_206] : memref<819200x128xf32, #tpu.memory_space<hbm>> -> memref<128x128xf32, #tpu.memory_space<hbm>>
      %dma_wait3A_208 = arith.constant 0 : i32
      %dma_wait3A_209 = tpu.memref_slice %arg4[%mul3A_2, %dma_wait3A_208] : memref<819200x128xf32, #tpu.memory_space<hbm>> -> memref<128x128xf32, #tpu.memory_space<hbm>>
      %dma_wait3A_210 = arith.constant 0 : i32
      %dma_wait3A_211 = arith.constant 0 : i32
      %dma_wait3A_212 = tpu.memref_slice %arg6[%dma_wait3A_210, %dma_wait3A_211] : memref<640x128xf32, #tpu.memory_space<vmem>> -> memref<128x128xf32, #tpu.memory_space<vmem>>
      tpu.wait_dma2 semaphore(%arg12 : memref<!tpu.dma_semaphore, #tpu.memory_space<semaphore_mem>>) src(%dma_wait3A_212 : memref<128x128xf32, #tpu.memory_space<vmem>>) dst(%dma_wait3A_209 : memref<128x128xf32, #tpu.memory_space<hbm>>)
      %mul3A_213 = arith.constant 128 : i32
      %mul3A_214 = arith.muli %add3A_202, %mul3A_213 : i32
      %dma_start3A_215 = arith.constant 0 : i32
      %dma_start3A_216 = arith.constant 0 : i32
      %dma_start3A_217 = tpu.memref_slice %arg6[%dma_start3A_215, %dma_start3A_216] : memref<640x128xf32, #tpu.memory_space<vmem>> -> memref<128x128xf32, #tpu.memory_space<vmem>>
      %dma_start3A_218 = tpu.memref_slice %arg5[%mul3A_214] : memref<25600xi32, #tpu.memory_space<vmem>> -> memref<128xi32, #tpu.memory_space<vmem>>
      %dma_start3A_219 = arith.constant 0 : i32
      %dma_start3A_220 = arith.constant 0 : i32
      %dma_start3A_221 = tpu.memref_slice %arg2[%dma_start3A_219, %dma_start3A_220] : memref<100000x128xf32, #tpu.memory_space<hbm>> -> memref<100000x128xf32, #tpu.memory_space<hbm>>
      tpu.enqueue_indirect_dma source(%dma_start3A_221 : memref<100000x128xf32, #tpu.memory_space<hbm>>) target(%dma_start3A_217 : memref<128x128xf32, #tpu.memory_space<vmem>>) offsets(%dma_start3A_218 : memref<128xi32, #tpu.memory_space<vmem>>) semaphore(%arg7 : memref<!tpu.dma_semaphore, #tpu.memory_space<semaphore_mem>>)
      %dma_wait3A_222 = arith.constant 512 : i32
      %dma_wait3A_223 = arith.constant 0 : i32
      %dma_wait3A_224 = tpu.memref_slice %arg6[%dma_wait3A_222, %dma_wait3A_223] : memref<640x128xf32, #tpu.memory_space<vmem>> -> memref<128x128xf32, #tpu.memory_space<vmem>>
      %dma_wait3A_225 = arith.constant 0 : i32
      %dma_wait3A_226 = tpu.memref_slice %arg5[%dma_wait3A_225] : memref<25600xi32, #tpu.memory_space<vmem>> -> memref<128xi32, #tpu.memory_space<vmem>>
      %dma_wait3A_227 = arith.constant 0 : i32
      %dma_wait3A_228 = arith.constant 0 : i32
      %dma_wait3A_229 = tpu.memref_slice %arg2[%dma_wait3A_227, %dma_wait3A_228] : memref<100000x128xf32, #tpu.memory_space<hbm>> -> memref<100000x128xf32, #tpu.memory_space<hbm>>
      tpu.wait_indirect_dma semaphore(%arg11 : memref<!tpu.dma_semaphore, #tpu.memory_space<semaphore_mem>>) src(%dma_wait3A_229 : memref<100000x128xf32, #tpu.memory_space<hbm>>) dst(%dma_wait3A_224 : memref<128x128xf32, #tpu.memory_space<vmem>>)
      %sub3A = arith.constant 1 : i32
      %sub3A_230 = arith.subi %add3A_202, %sub3A : i32
      %mul3A_231 = arith.constant 128 : i32
      %mul3A_232 = arith.muli %sub3A_230, %mul3A_231 : i32
      %add3A_233 = arith.addi %mul3A_2, %mul3A_232 : i32
      %dma_start3A_234 = arith.constant 512 : i32
      %dma_start3A_235 = arith.constant 0 : i32
      %dma_start3A_236 = tpu.memref_slice %arg6[%dma_start3A_234, %dma_start3A_235] : memref<640x128xf32, #tpu.memory_space<vmem>> -> memref<128x128xf32, #tpu.memory_space<vmem>>
      %dma_start3A_237 = arith.constant 0 : i32
      %dma_start3A_238 = tpu.memref_slice %arg4[%add3A_233, %dma_start3A_237] : memref<819200x128xf32, #tpu.memory_space<hbm>> -> memref<128x128xf32, #tpu.memory_space<hbm>>
      %dma_start3A_239 = arith.constant 0 : i32
      %dma_start3A_240 = tpu.memref_slice %arg4[%add3A_233, %dma_start3A_239] : memref<819200x128xf32, #tpu.memory_space<hbm>> -> memref<128x128xf32, #tpu.memory_space<hbm>>
      %dma_start3A_241 = arith.constant 512 : i32
      %dma_start3A_242 = arith.constant 0 : i32
      %dma_start3A_243 = tpu.memref_slice %arg6[%dma_start3A_241, %dma_start3A_242] : memref<640x128xf32, #tpu.memory_space<vmem>> -> memref<128x128xf32, #tpu.memory_space<vmem>>
      tpu.enqueue_dma source(%dma_start3A_243 : memref<128x128xf32, #tpu.memory_space<vmem>>) target(%dma_start3A_240 : memref<128x128xf32, #tpu.memory_space<hbm>>) target_semaphore(%arg16 : memref<!tpu.dma_semaphore, #tpu.memory_space<semaphore_mem>>)
      %add3A_244 = arith.constant 1 : i32
      %add3A_245 = arith.addi %add3A_200, %add3A_244 : i32
      %dma_wait3A_246 = arith.constant 128 : i32
      %dma_wait3A_247 = arith.constant 0 : i32
      %dma_wait3A_248 = tpu.memref_slice %arg6[%dma_wait3A_246, %dma_wait3A_247] : memref<640x128xf32, #tpu.memory_space<vmem>> -> memref<128x128xf32, #tpu.memory_space<vmem>>
      %dma_wait3A_249 = arith.constant 0 : i32
      %dma_wait3A_250 = tpu.memref_slice %arg4[%mul3A_2, %dma_wait3A_249] : memref<819200x128xf32, #tpu.memory_space<hbm>> -> memref<128x128xf32, #tpu.memory_space<hbm>>
      %dma_wait3A_251 = arith.constant 0 : i32
      %dma_wait3A_252 = tpu.memref_slice %arg4[%mul3A_2, %dma_wait3A_251] : memref<819200x128xf32, #tpu.memory_space<hbm>> -> memref<128x128xf32, #tpu.memory_space<hbm>>
      %dma_wait3A_253 = arith.constant 128 : i32
      %dma_wait3A_254 = arith.constant 0 : i32
      %dma_wait3A_255 = tpu.memref_slice %arg6[%dma_wait3A_253, %dma_wait3A_254] : memref<640x128xf32, #tpu.memory_space<vmem>> -> memref<128x128xf32, #tpu.memory_space<vmem>>
      tpu.wait_dma2 semaphore(%arg13 : memref<!tpu.dma_semaphore, #tpu.memory_space<semaphore_mem>>) src(%dma_wait3A_255 : memref<128x128xf32, #tpu.memory_space<vmem>>) dst(%dma_wait3A_252 : memref<128x128xf32, #tpu.memory_space<hbm>>)
      %mul3A_256 = arith.constant 128 : i32
      %mul3A_257 = arith.muli %add3A_245, %mul3A_256 : i32
      %dma_start3A_258 = arith.constant 128 : i32
      %dma_start3A_259 = arith.constant 0 : i32
      %dma_start3A_260 = tpu.memref_slice %arg6[%dma_start3A_258, %dma_start3A_259] : memref<640x128xf32, #tpu.memory_space<vmem>> -> memref<128x128xf32, #tpu.memory_space<vmem>>
      %dma_start3A_261 = tpu.memref_slice %arg5[%mul3A_257] : memref<25600xi32, #tpu.memory_space<vmem>> -> memref<128xi32, #tpu.memory_space<vmem>>
      %dma_start3A_262 = arith.constant 0 : i32
      %dma_start3A_263 = arith.constant 0 : i32
      %dma_start3A_264 = tpu.memref_slice %arg2[%dma_start3A_262, %dma_start3A_263] : memref<100000x128xf32, #tpu.memory_space<hbm>> -> memref<100000x128xf32, #tpu.memory_space<hbm>>
      tpu.enqueue_indirect_dma source(%dma_start3A_264 : memref<100000x128xf32, #tpu.memory_space<hbm>>) target(%dma_start3A_260 : memref<128x128xf32, #tpu.memory_space<vmem>>) offsets(%dma_start3A_261 : memref<128xi32, #tpu.memory_space<vmem>>) semaphore(%arg8 : memref<!tpu.dma_semaphore, #tpu.memory_space<semaphore_mem>>)
      %dma_wait3A_265 = arith.constant 0 : i32
      %dma_wait3A_266 = arith.constant 0 : i32
      %dma_wait3A_267 = tpu.memref_slice %arg6[%dma_wait3A_265, %dma_wait3A_266] : memref<640x128xf32, #tpu.memory_space<vmem>> -> memref<128x128xf32, #tpu.memory_space<vmem>>
      %dma_wait3A_268 = arith.constant 0 : i32
      %dma_wait3A_269 = tpu.memref_slice %arg5[%dma_wait3A_268] : memref<25600xi32, #tpu.memory_space<vmem>> -> memref<128xi32, #tpu.memory_space<vmem>>
      %dma_wait3A_270 = arith.constant 0 : i32
      %dma_wait3A_271 = arith.constant 0 : i32
      %dma_wait3A_272 = tpu.memref_slice %arg2[%dma_wait3A_270, %dma_wait3A_271] : memref<100000x128xf32, #tpu.memory_space<hbm>> -> memref<100000x128xf32, #tpu.memory_space<hbm>>
      tpu.wait_indirect_dma semaphore(%arg7 : memref<!tpu.dma_semaphore, #tpu.memory_space<semaphore_mem>>) src(%dma_wait3A_272 : memref<100000x128xf32, #tpu.memory_space<hbm>>) dst(%dma_wait3A_267 : memref<128x128xf32, #tpu.memory_space<vmem>>)
      %sub3A_273 = arith.constant 1 : i32
      %sub3A_274 = arith.subi %add3A_245, %sub3A_273 : i32
      %mul3A_275 = arith.constant 128 : i32
      %mul3A_276 = arith.muli %sub3A_274, %mul3A_275 : i32
      %add3A_277 = arith.addi %mul3A_2, %mul3A_276 : i32
      %dma_start3A_278 = arith.constant 0 : i32
      %dma_start3A_279 = arith.constant 0 : i32
      %dma_start3A_280 = tpu.memref_slice %arg6[%dma_start3A_278, %dma_start3A_279] : memref<640x128xf32, #tpu.memory_space<vmem>> -> memref<128x128xf32, #tpu.memory_space<vmem>>
      %dma_start3A_281 = arith.constant 0 : i32
      %dma_start3A_282 = tpu.memref_slice %arg4[%add3A_277, %dma_start3A_281] : memref<819200x128xf32, #tpu.memory_space<hbm>> -> memref<128x128xf32, #tpu.memory_space<hbm>>
      %dma_start3A_283 = arith.constant 0 : i32
      %dma_start3A_284 = tpu.memref_slice %arg4[%add3A_277, %dma_start3A_283] : memref<819200x128xf32, #tpu.memory_space<hbm>> -> memref<128x128xf32, #tpu.memory_space<hbm>>
      %dma_start3A_285 = arith.constant 0 : i32
      %dma_start3A_286 = arith.constant 0 : i32
      %dma_start3A_287 = tpu.memref_slice %arg6[%dma_start3A_285, %dma_start3A_286] : memref<640x128xf32, #tpu.memory_space<vmem>> -> memref<128x128xf32, #tpu.memory_space<vmem>>
      tpu.enqueue_dma source(%dma_start3A_287 : memref<128x128xf32, #tpu.memory_space<vmem>>) target(%dma_start3A_284 : memref<128x128xf32, #tpu.memory_space<hbm>>) target_semaphore(%arg12 : memref<!tpu.dma_semaphore, #tpu.memory_space<semaphore_mem>>)
      %add3A_288 = arith.constant 2 : i32
      %add3A_289 = arith.addi %add3A_200, %add3A_288 : i32
      %dma_wait3A_290 = arith.constant 256 : i32
      %dma_wait3A_291 = arith.constant 0 : i32
      %dma_wait3A_292 = tpu.memref_slice %arg6[%dma_wait3A_290, %dma_wait3A_291] : memref<640x128xf32, #tpu.memory_space<vmem>> -> memref<128x128xf32, #tpu.memory_space<vmem>>
      %dma_wait3A_293 = arith.constant 0 : i32
      %dma_wait3A_294 = tpu.memref_slice %arg4[%mul3A_2, %dma_wait3A_293] : memref<819200x128xf32, #tpu.memory_space<hbm>> -> memref<128x128xf32, #tpu.memory_space<hbm>>
      %dma_wait3A_295 = arith.constant 0 : i32
      %dma_wait3A_296 = tpu.memref_slice %arg4[%mul3A_2, %dma_wait3A_295] : memref<819200x128xf32, #tpu.memory_space<hbm>> -> memref<128x128xf32, #tpu.memory_space<hbm>>
      %dma_wait3A_297 = arith.constant 256 : i32
      %dma_wait3A_298 = arith.constant 0 : i32
      %dma_wait3A_299 = tpu.memref_slice %arg6[%dma_wait3A_297, %dma_wait3A_298] : memref<640x128xf32, #tpu.memory_space<vmem>> -> memref<128x128xf32, #tpu.memory_space<vmem>>
      tpu.wait_dma2 semaphore(%arg14 : memref<!tpu.dma_semaphore, #tpu.memory_space<semaphore_mem>>) src(%dma_wait3A_299 : memref<128x128xf32, #tpu.memory_space<vmem>>) dst(%dma_wait3A_296 : memref<128x128xf32, #tpu.memory_space<hbm>>)
      %mul3A_300 = arith.constant 128 : i32
      %mul3A_301 = arith.muli %add3A_289, %mul3A_300 : i32
      %dma_start3A_302 = arith.constant 256 : i32
      %dma_start3A_303 = arith.constant 0 : i32
      %dma_start3A_304 = tpu.memref_slice %arg6[%dma_start3A_302, %dma_start3A_303] : memref<640x128xf32, #tpu.memory_space<vmem>> -> memref<128x128xf32, #tpu.memory_space<vmem>>
      %dma_start3A_305 = tpu.memref_slice %arg5[%mul3A_301] : memref<25600xi32, #tpu.memory_space<vmem>> -> memref<128xi32, #tpu.memory_space<vmem>>
      %dma_start3A_306 = arith.constant 0 : i32
      %dma_start3A_307 = arith.constant 0 : i32
      %dma_start3A_308 = tpu.memref_slice %arg2[%dma_start3A_306, %dma_start3A_307] : memref<100000x128xf32, #tpu.memory_space<hbm>> -> memref<100000x128xf32, #tpu.memory_space<hbm>>
      tpu.enqueue_indirect_dma source(%dma_start3A_308 : memref<100000x128xf32, #tpu.memory_space<hbm>>) target(%dma_start3A_304 : memref<128x128xf32, #tpu.memory_space<vmem>>) offsets(%dma_start3A_305 : memref<128xi32, #tpu.memory_space<vmem>>) semaphore(%arg9 : memref<!tpu.dma_semaphore, #tpu.memory_space<semaphore_mem>>)
      %dma_wait3A_309 = arith.constant 128 : i32
      %dma_wait3A_310 = arith.constant 0 : i32
      %dma_wait3A_311 = tpu.memref_slice %arg6[%dma_wait3A_309, %dma_wait3A_310] : memref<640x128xf32, #tpu.memory_space<vmem>> -> memref<128x128xf32, #tpu.memory_space<vmem>>
      %dma_wait3A_312 = arith.constant 0 : i32
      %dma_wait3A_313 = tpu.memref_slice %arg5[%dma_wait3A_312] : memref<25600xi32, #tpu.memory_space<vmem>> -> memref<128xi32, #tpu.memory_space<vmem>>
      %dma_wait3A_314 = arith.constant 0 : i32
      %dma_wait3A_315 = arith.constant 0 : i32
      %dma_wait3A_316 = tpu.memref_slice %arg2[%dma_wait3A_314, %dma_wait3A_315] : memref<100000x128xf32, #tpu.memory_space<hbm>> -> memref<100000x128xf32, #tpu.memory_space<hbm>>
      tpu.wait_indirect_dma semaphore(%arg8 : memref<!tpu.dma_semaphore, #tpu.memory_space<semaphore_mem>>) src(%dma_wait3A_316 : memref<100000x128xf32, #tpu.memory_space<hbm>>) dst(%dma_wait3A_311 : memref<128x128xf32, #tpu.memory_space<vmem>>)
      %sub3A_317 = arith.constant 1 : i32
      %sub3A_318 = arith.subi %add3A_289, %sub3A_317 : i32
      %mul3A_319 = arith.constant 128 : i32
      %mul3A_320 = arith.muli %sub3A_318, %mul3A_319 : i32
      %add3A_321 = arith.addi %mul3A_2, %mul3A_320 : i32
      %dma_start3A_322 = arith.constant 128 : i32
      %dma_start3A_323 = arith.constant 0 : i32
      %dma_start3A_324 = tpu.memref_slice %arg6[%dma_start3A_322, %dma_start3A_323] : memref<640x128xf32, #tpu.memory_space<vmem>> -> memref<128x128xf32, #tpu.memory_space<vmem>>
      %dma_start3A_325 = arith.constant 0 : i32
      %dma_start3A_326 = tpu.memref_slice %arg4[%add3A_321, %dma_start3A_325] : memref<819200x128xf32, #tpu.memory_space<hbm>> -> memref<128x128xf32, #tpu.memory_space<hbm>>
      %dma_start3A_327 = arith.constant 0 : i32
      %dma_start3A_328 = tpu.memref_slice %arg4[%add3A_321, %dma_start3A_327] : memref<819200x128xf32, #tpu.memory_space<hbm>> -> memref<128x128xf32, #tpu.memory_space<hbm>>
      %dma_start3A_329 = arith.constant 128 : i32
      %dma_start3A_330 = arith.constant 0 : i32
      %dma_start3A_331 = tpu.memref_slice %arg6[%dma_start3A_329, %dma_start3A_330] : memref<640x128xf32, #tpu.memory_space<vmem>> -> memref<128x128xf32, #tpu.memory_space<vmem>>
      tpu.enqueue_dma source(%dma_start3A_331 : memref<128x128xf32, #tpu.memory_space<vmem>>) target(%dma_start3A_328 : memref<128x128xf32, #tpu.memory_space<hbm>>) target_semaphore(%arg13 : memref<!tpu.dma_semaphore, #tpu.memory_space<semaphore_mem>>)
      %add3A_332 = arith.constant 3 : i32
      %add3A_333 = arith.addi %add3A_200, %add3A_332 : i32
      %dma_wait3A_334 = arith.constant 384 : i32
      %dma_wait3A_335 = arith.constant 0 : i32
      %dma_wait3A_336 = tpu.memref_slice %arg6[%dma_wait3A_334, %dma_wait3A_335] : memref<640x128xf32, #tpu.memory_space<vmem>> -> memref<128x128xf32, #tpu.memory_space<vmem>>
      %dma_wait3A_337 = arith.constant 0 : i32
      %dma_wait3A_338 = tpu.memref_slice %arg4[%mul3A_2, %dma_wait3A_337] : memref<819200x128xf32, #tpu.memory_space<hbm>> -> memref<128x128xf32, #tpu.memory_space<hbm>>
      %dma_wait3A_339 = arith.constant 0 : i32
      %dma_wait3A_340 = tpu.memref_slice %arg4[%mul3A_2, %dma_wait3A_339] : memref<819200x128xf32, #tpu.memory_space<hbm>> -> memref<128x128xf32, #tpu.memory_space<hbm>>
      %dma_wait3A_341 = arith.constant 384 : i32
      %dma_wait3A_342 = arith.constant 0 : i32
      %dma_wait3A_343 = tpu.memref_slice %arg6[%dma_wait3A_341, %dma_wait3A_342] : memref<640x128xf32, #tpu.memory_space<vmem>> -> memref<128x128xf32, #tpu.memory_space<vmem>>
      tpu.wait_dma2 semaphore(%arg15 : memref<!tpu.dma_semaphore, #tpu.memory_space<semaphore_mem>>) src(%dma_wait3A_343 : memref<128x128xf32, #tpu.memory_space<vmem>>) dst(%dma_wait3A_340 : memref<128x128xf32, #tpu.memory_space<hbm>>)
      %mul3A_344 = arith.constant 128 : i32
      %mul3A_345 = arith.muli %add3A_333, %mul3A_344 : i32
      %dma_start3A_346 = arith.constant 384 : i32
      %dma_start3A_347 = arith.constant 0 : i32
      %dma_start3A_348 = tpu.memref_slice %arg6[%dma_start3A_346, %dma_start3A_347] : memref<640x128xf32, #tpu.memory_space<vmem>> -> memref<128x128xf32, #tpu.memory_space<vmem>>
      %dma_start3A_349 = tpu.memref_slice %arg5[%mul3A_345] : memref<25600xi32, #tpu.memory_space<vmem>> -> memref<128xi32, #tpu.memory_space<vmem>>
      %dma_start3A_350 = arith.constant 0 : i32
      %dma_start3A_351 = arith.constant 0 : i32
      %dma_start3A_352 = tpu.memref_slice %arg2[%dma_start3A_350, %dma_start3A_351] : memref<100000x128xf32, #tpu.memory_space<hbm>> -> memref<100000x128xf32, #tpu.memory_space<hbm>>
      tpu.enqueue_indirect_dma source(%dma_start3A_352 : memref<100000x128xf32, #tpu.memory_space<hbm>>) target(%dma_start3A_348 : memref<128x128xf32, #tpu.memory_space<vmem>>) offsets(%dma_start3A_349 : memref<128xi32, #tpu.memory_space<vmem>>) semaphore(%arg10 : memref<!tpu.dma_semaphore, #tpu.memory_space<semaphore_mem>>)
      %dma_wait3A_353 = arith.constant 256 : i32
      %dma_wait3A_354 = arith.constant 0 : i32
      %dma_wait3A_355 = tpu.memref_slice %arg6[%dma_wait3A_353, %dma_wait3A_354] : memref<640x128xf32, #tpu.memory_space<vmem>> -> memref<128x128xf32, #tpu.memory_space<vmem>>
      %dma_wait3A_356 = arith.constant 0 : i32
      %dma_wait3A_357 = tpu.memref_slice %arg5[%dma_wait3A_356] : memref<25600xi32, #tpu.memory_space<vmem>> -> memref<128xi32, #tpu.memory_space<vmem>>
      %dma_wait3A_358 = arith.constant 0 : i32
      %dma_wait3A_359 = arith.constant 0 : i32
      %dma_wait3A_360 = tpu.memref_slice %arg2[%dma_wait3A_358, %dma_wait3A_359] : memref<100000x128xf32, #tpu.memory_space<hbm>> -> memref<100000x128xf32, #tpu.memory_space<hbm>>
      tpu.wait_indirect_dma semaphore(%arg9 : memref<!tpu.dma_semaphore, #tpu.memory_space<semaphore_mem>>) src(%dma_wait3A_360 : memref<100000x128xf32, #tpu.memory_space<hbm>>) dst(%dma_wait3A_355 : memref<128x128xf32, #tpu.memory_space<vmem>>)
      %sub3A_361 = arith.constant 1 : i32
      %sub3A_362 = arith.subi %add3A_333, %sub3A_361 : i32
      %mul3A_363 = arith.constant 128 : i32
      %mul3A_364 = arith.muli %sub3A_362, %mul3A_363 : i32
      %add3A_365 = arith.addi %mul3A_2, %mul3A_364 : i32
      %dma_start3A_366 = arith.constant 256 : i32
      %dma_start3A_367 = arith.constant 0 : i32
      %dma_start3A_368 = tpu.memref_slice %arg6[%dma_start3A_366, %dma_start3A_367] : memref<640x128xf32, #tpu.memory_space<vmem>> -> memref<128x128xf32, #tpu.memory_space<vmem>>
      %dma_start3A_369 = arith.constant 0 : i32
      %dma_start3A_370 = tpu.memref_slice %arg4[%add3A_365, %dma_start3A_369] : memref<819200x128xf32, #tpu.memory_space<hbm>> -> memref<128x128xf32, #tpu.memory_space<hbm>>
      %dma_start3A_371 = arith.constant 0 : i32
      %dma_start3A_372 = tpu.memref_slice %arg4[%add3A_365, %dma_start3A_371] : memref<819200x128xf32, #tpu.memory_space<hbm>> -> memref<128x128xf32, #tpu.memory_space<hbm>>
      %dma_start3A_373 = arith.constant 256 : i32
      %dma_start3A_374 = arith.constant 0 : i32
      %dma_start3A_375 = tpu.memref_slice %arg6[%dma_start3A_373, %dma_start3A_374] : memref<640x128xf32, #tpu.memory_space<vmem>> -> memref<128x128xf32, #tpu.memory_space<vmem>>
      tpu.enqueue_dma source(%dma_start3A_375 : memref<128x128xf32, #tpu.memory_space<vmem>>) target(%dma_start3A_372 : memref<128x128xf32, #tpu.memory_space<hbm>>) target_semaphore(%arg14 : memref<!tpu.dma_semaphore, #tpu.memory_space<semaphore_mem>>)
      %add3A_376 = arith.constant 4 : i32
      %add3A_377 = arith.addi %add3A_200, %add3A_376 : i32
      %dma_wait3A_378 = arith.constant 512 : i32
      %dma_wait3A_379 = arith.constant 0 : i32
      %dma_wait3A_380 = tpu.memref_slice %arg6[%dma_wait3A_378, %dma_wait3A_379] : memref<640x128xf32, #tpu.memory_space<vmem>> -> memref<128x128xf32, #tpu.memory_space<vmem>>
      %dma_wait3A_381 = arith.constant 0 : i32
      %dma_wait3A_382 = tpu.memref_slice %arg4[%mul3A_2, %dma_wait3A_381] : memref<819200x128xf32, #tpu.memory_space<hbm>> -> memref<128x128xf32, #tpu.memory_space<hbm>>
      %dma_wait3A_383 = arith.constant 0 : i32
      %dma_wait3A_384 = tpu.memref_slice %arg4[%mul3A_2, %dma_wait3A_383] : memref<819200x128xf32, #tpu.memory_space<hbm>> -> memref<128x128xf32, #tpu.memory_space<hbm>>
      %dma_wait3A_385 = arith.constant 512 : i32
      %dma_wait3A_386 = arith.constant 0 : i32
      %dma_wait3A_387 = tpu.memref_slice %arg6[%dma_wait3A_385, %dma_wait3A_386] : memref<640x128xf32, #tpu.memory_space<vmem>> -> memref<128x128xf32, #tpu.memory_space<vmem>>
      tpu.wait_dma2 semaphore(%arg16 : memref<!tpu.dma_semaphore, #tpu.memory_space<semaphore_mem>>) src(%dma_wait3A_387 : memref<128x128xf32, #tpu.memory_space<vmem>>) dst(%dma_wait3A_384 : memref<128x128xf32, #tpu.memory_space<hbm>>)
      %mul3A_388 = arith.constant 128 : i32
      %mul3A_389 = arith.muli %add3A_377, %mul3A_388 : i32
      %dma_start3A_390 = arith.constant 512 : i32
      %dma_start3A_391 = arith.constant 0 : i32
      %dma_start3A_392 = tpu.memref_slice %arg6[%dma_start3A_390, %dma_start3A_391] : memref<640x128xf32, #tpu.memory_space<vmem>> -> memref<128x128xf32, #tpu.memory_space<vmem>>
      %dma_start3A_393 = tpu.memref_slice %arg5[%mul3A_389] : memref<25600xi32, #tpu.memory_space<vmem>> -> memref<128xi32, #tpu.memory_space<vmem>>
      %dma_start3A_394 = arith.constant 0 : i32
      %dma_start3A_395 = arith.constant 0 : i32
      %dma_start3A_396 = tpu.memref_slice %arg2[%dma_start3A_394, %dma_start3A_395] : memref<100000x128xf32, #tpu.memory_space<hbm>> -> memref<100000x128xf32, #tpu.memory_space<hbm>>
      tpu.enqueue_indirect_dma source(%dma_start3A_396 : memref<100000x128xf32, #tpu.memory_space<hbm>>) target(%dma_start3A_392 : memref<128x128xf32, #tpu.memory_space<vmem>>) offsets(%dma_start3A_393 : memref<128xi32, #tpu.memory_space<vmem>>) semaphore(%arg11 : memref<!tpu.dma_semaphore, #tpu.memory_space<semaphore_mem>>)
      %dma_wait3A_397 = arith.constant 384 : i32
      %dma_wait3A_398 = arith.constant 0 : i32
      %dma_wait3A_399 = tpu.memref_slice %arg6[%dma_wait3A_397, %dma_wait3A_398] : memref<640x128xf32, #tpu.memory_space<vmem>> -> memref<128x128xf32, #tpu.memory_space<vmem>>
      %dma_wait3A_400 = arith.constant 0 : i32
      %dma_wait3A_401 = tpu.memref_slice %arg5[%dma_wait3A_400] : memref<25600xi32, #tpu.memory_space<vmem>> -> memref<128xi32, #tpu.memory_space<vmem>>
      %dma_wait3A_402 = arith.constant 0 : i32
      %dma_wait3A_403 = arith.constant 0 : i32
      %dma_wait3A_404 = tpu.memref_slice %arg2[%dma_wait3A_402, %dma_wait3A_403] : memref<100000x128xf32, #tpu.memory_space<hbm>> -> memref<100000x128xf32, #tpu.memory_space<hbm>>
      tpu.wait_indirect_dma semaphore(%arg10 : memref<!tpu.dma_semaphore, #tpu.memory_space<semaphore_mem>>) src(%dma_wait3A_404 : memref<100000x128xf32, #tpu.memory_space<hbm>>) dst(%dma_wait3A_399 : memref<128x128xf32, #tpu.memory_space<vmem>>)
      %sub3A_405 = arith.constant 1 : i32
      %sub3A_406 = arith.subi %add3A_377, %sub3A_405 : i32
      %mul3A_407 = arith.constant 128 : i32
      %mul3A_408 = arith.muli %sub3A_406, %mul3A_407 : i32
      %add3A_409 = arith.addi %mul3A_2, %mul3A_408 : i32
      %dma_start3A_410 = arith.constant 384 : i32
      %dma_start3A_411 = arith.constant 0 : i32
      %dma_start3A_412 = tpu.memref_slice %arg6[%dma_start3A_410, %dma_start3A_411] : memref<640x128xf32, #tpu.memory_space<vmem>> -> memref<128x128xf32, #tpu.memory_space<vmem>>
      %dma_start3A_413 = arith.constant 0 : i32
      %dma_start3A_414 = tpu.memref_slice %arg4[%add3A_409, %dma_start3A_413] : memref<819200x128xf32, #tpu.memory_space<hbm>> -> memref<128x128xf32, #tpu.memory_space<hbm>>
      %dma_start3A_415 = arith.constant 0 : i32
      %dma_start3A_416 = tpu.memref_slice %arg4[%add3A_409, %dma_start3A_415] : memref<819200x128xf32, #tpu.memory_space<hbm>> -> memref<128x128xf32, #tpu.memory_space<hbm>>
      %dma_start3A_417 = arith.constant 384 : i32
      %dma_start3A_418 = arith.constant 0 : i32
      %dma_start3A_419 = tpu.memref_slice %arg6[%dma_start3A_417, %dma_start3A_418] : memref<640x128xf32, #tpu.memory_space<vmem>> -> memref<128x128xf32, #tpu.memory_space<vmem>>
      tpu.enqueue_dma source(%dma_start3A_419 : memref<128x128xf32, #tpu.memory_space<vmem>>) target(%dma_start3A_416 : memref<128x128xf32, #tpu.memory_space<hbm>>) target_semaphore(%arg15 : memref<!tpu.dma_semaphore, #tpu.memory_space<semaphore_mem>>)
    }
    %scan3A_125 = arith.constant 39 : i32
    %dma_wait3A_126 = arith.constant 512 : i32
    %dma_wait3A_127 = arith.constant 0 : i32
    %dma_wait3A_128 = tpu.memref_slice %arg6[%dma_wait3A_126, %dma_wait3A_127] : memref<640x128xf32, #tpu.memory_space<vmem>> -> memref<128x128xf32, #tpu.memory_space<vmem>>
    %dma_wait3A_129 = arith.constant 0 : i32
    %dma_wait3A_130 = tpu.memref_slice %arg5[%dma_wait3A_129] : memref<25600xi32, #tpu.memory_space<vmem>> -> memref<128xi32, #tpu.memory_space<vmem>>
    %dma_wait3A_131 = arith.constant 0 : i32
    %dma_wait3A_132 = arith.constant 0 : i32
    %dma_wait3A_133 = tpu.memref_slice %arg2[%dma_wait3A_131, %dma_wait3A_132] : memref<100000x128xf32, #tpu.memory_space<hbm>> -> memref<100000x128xf32, #tpu.memory_space<hbm>>
    tpu.wait_indirect_dma semaphore(%arg11 : memref<!tpu.dma_semaphore, #tpu.memory_space<semaphore_mem>>) src(%dma_wait3A_133 : memref<100000x128xf32, #tpu.memory_space<hbm>>) dst(%dma_wait3A_128 : memref<128x128xf32, #tpu.memory_space<vmem>>)
    %add3A_134 = arith.constant 25472 : i32
    %add3A_135 = arith.addi %mul3A_2, %add3A_134 : i32
    %dma_start3A_136 = arith.constant 512 : i32
    %dma_start3A_137 = arith.constant 0 : i32
    %dma_start3A_138 = tpu.memref_slice %arg6[%dma_start3A_136, %dma_start3A_137] : memref<640x128xf32, #tpu.memory_space<vmem>> -> memref<128x128xf32, #tpu.memory_space<vmem>>
    %dma_start3A_139 = arith.constant 0 : i32
    %dma_start3A_140 = tpu.memref_slice %arg4[%add3A_135, %dma_start3A_139] : memref<819200x128xf32, #tpu.memory_space<hbm>> -> memref<128x128xf32, #tpu.memory_space<hbm>>
    %dma_start3A_141 = arith.constant 0 : i32
    %dma_start3A_142 = tpu.memref_slice %arg4[%add3A_135, %dma_start3A_141] : memref<819200x128xf32, #tpu.memory_space<hbm>> -> memref<128x128xf32, #tpu.memory_space<hbm>>
    %dma_start3A_143 = arith.constant 512 : i32
    %dma_start3A_144 = arith.constant 0 : i32
    %dma_start3A_145 = tpu.memref_slice %arg6[%dma_start3A_143, %dma_start3A_144] : memref<640x128xf32, #tpu.memory_space<vmem>> -> memref<128x128xf32, #tpu.memory_space<vmem>>
    tpu.enqueue_dma source(%dma_start3A_145 : memref<128x128xf32, #tpu.memory_space<vmem>>) target(%dma_start3A_142 : memref<128x128xf32, #tpu.memory_space<hbm>>) target_semaphore(%arg16 : memref<!tpu.dma_semaphore, #tpu.memory_space<semaphore_mem>>)
    %dma_wait3A_146 = arith.constant 0 : i32
    %dma_wait3A_147 = arith.constant 0 : i32
    %dma_wait3A_148 = tpu.memref_slice %arg6[%dma_wait3A_146, %dma_wait3A_147] : memref<640x128xf32, #tpu.memory_space<vmem>> -> memref<128x128xf32, #tpu.memory_space<vmem>>
    %dma_wait3A_149 = arith.constant 0 : i32
    %dma_wait3A_150 = tpu.memref_slice %arg4[%mul3A_2, %dma_wait3A_149] : memref<819200x128xf32, #tpu.memory_space<hbm>> -> memref<128x128xf32, #tpu.memory_space<hbm>>
    %dma_wait3A_151 = arith.constant 0 : i32
    %dma_wait3A_152 = tpu.memref_slice %arg4[%mul3A_2, %dma_wait3A_151] : memref<819200x128xf32, #tpu.memory_space<hbm>> -> memref<128x128xf32, #tpu.memory_space<hbm>>
    %dma_wait3A_153 = arith.constant 0 : i32
    %dma_wait3A_154 = arith.constant 0 : i32
    %dma_wait3A_155 = tpu.memref_slice %arg6[%dma_wait3A_153, %dma_wait3A_154] : memref<640x128xf32, #tpu.memory_space<vmem>> -> memref<128x128xf32, #tpu.memory_space<vmem>>
    tpu.wait_dma2 semaphore(%arg12 : memref<!tpu.dma_semaphore, #tpu.memory_space<semaphore_mem>>) src(%dma_wait3A_155 : memref<128x128xf32, #tpu.memory_space<vmem>>) dst(%dma_wait3A_152 : memref<128x128xf32, #tpu.memory_space<hbm>>)
    %dma_wait3A_156 = arith.constant 128 : i32
    %dma_wait3A_157 = arith.constant 0 : i32
    %dma_wait3A_158 = tpu.memref_slice %arg6[%dma_wait3A_156, %dma_wait3A_157] : memref<640x128xf32, #tpu.memory_space<vmem>> -> memref<128x128xf32, #tpu.memory_space<vmem>>
    %dma_wait3A_159 = arith.constant 0 : i32
    %dma_wait3A_160 = tpu.memref_slice %arg4[%mul3A_2, %dma_wait3A_159] : memref<819200x128xf32, #tpu.memory_space<hbm>> -> memref<128x128xf32, #tpu.memory_space<hbm>>
    %dma_wait3A_161 = arith.constant 0 : i32
    %dma_wait3A_162 = tpu.memref_slice %arg4[%mul3A_2, %dma_wait3A_161] : memref<819200x128xf32, #tpu.memory_space<hbm>> -> memref<128x128xf32, #tpu.memory_space<hbm>>
    %dma_wait3A_163 = arith.constant 128 : i32
    %dma_wait3A_164 = arith.constant 0 : i32
    %dma_wait3A_165 = tpu.memref_slice %arg6[%dma_wait3A_163, %dma_wait3A_164] : memref<640x128xf32, #tpu.memory_space<vmem>> -> memref<128x128xf32, #tpu.memory_space<vmem>>
    tpu.wait_dma2 semaphore(%arg13 : memref<!tpu.dma_semaphore, #tpu.memory_space<semaphore_mem>>) src(%dma_wait3A_165 : memref<128x128xf32, #tpu.memory_space<vmem>>) dst(%dma_wait3A_162 : memref<128x128xf32, #tpu.memory_space<hbm>>)
    %dma_wait3A_166 = arith.constant 256 : i32
    %dma_wait3A_167 = arith.constant 0 : i32
    %dma_wait3A_168 = tpu.memref_slice %arg6[%dma_wait3A_166, %dma_wait3A_167] : memref<640x128xf32, #tpu.memory_space<vmem>> -> memref<128x128xf32, #tpu.memory_space<vmem>>
    %dma_wait3A_169 = arith.constant 0 : i32
    %dma_wait3A_170 = tpu.memref_slice %arg4[%mul3A_2, %dma_wait3A_169] : memref<819200x128xf32, #tpu.memory_space<hbm>> -> memref<128x128xf32, #tpu.memory_space<hbm>>
    %dma_wait3A_171 = arith.constant 0 : i32
    %dma_wait3A_172 = tpu.memref_slice %arg4[%mul3A_2, %dma_wait3A_171] : memref<819200x128xf32, #tpu.memory_space<hbm>> -> memref<128x128xf32, #tpu.memory_space<hbm>>
    %dma_wait3A_173 = arith.constant 256 : i32
    %dma_wait3A_174 = arith.constant 0 : i32
    %dma_wait3A_175 = tpu.memref_slice %arg6[%dma_wait3A_173, %dma_wait3A_174] : memref<640x128xf32, #tpu.memory_space<vmem>> -> memref<128x128xf32, #tpu.memory_space<vmem>>
    tpu.wait_dma2 semaphore(%arg14 : memref<!tpu.dma_semaphore, #tpu.memory_space<semaphore_mem>>) src(%dma_wait3A_175 : memref<128x128xf32, #tpu.memory_space<vmem>>) dst(%dma_wait3A_172 : memref<128x128xf32, #tpu.memory_space<hbm>>)
    %dma_wait3A_176 = arith.constant 384 : i32
    %dma_wait3A_177 = arith.constant 0 : i32
    %dma_wait3A_178 = tpu.memref_slice %arg6[%dma_wait3A_176, %dma_wait3A_177] : memref<640x128xf32, #tpu.memory_space<vmem>> -> memref<128x128xf32, #tpu.memory_space<vmem>>
    %dma_wait3A_179 = arith.constant 0 : i32
    %dma_wait3A_180 = tpu.memref_slice %arg4[%mul3A_2, %dma_wait3A_179] : memref<819200x128xf32, #tpu.memory_space<hbm>> -> memref<128x128xf32, #tpu.memory_space<hbm>>
    %dma_wait3A_181 = arith.constant 0 : i32
    %dma_wait3A_182 = tpu.memref_slice %arg4[%mul3A_2, %dma_wait3A_181] : memref<819200x128xf32, #tpu.memory_space<hbm>> -> memref<128x128xf32, #tpu.memory_space<hbm>>
    %dma_wait3A_183 = arith.constant 384 : i32
    %dma_wait3A_184 = arith.constant 0 : i32
    %dma_wait3A_185 = tpu.memref_slice %arg6[%dma_wait3A_183, %dma_wait3A_184] : memref<640x128xf32, #tpu.memory_space<vmem>> -> memref<128x128xf32, #tpu.memory_space<vmem>>
    tpu.wait_dma2 semaphore(%arg15 : memref<!tpu.dma_semaphore, #tpu.memory_space<semaphore_mem>>) src(%dma_wait3A_185 : memref<128x128xf32, #tpu.memory_space<vmem>>) dst(%dma_wait3A_182 : memref<128x128xf32, #tpu.memory_space<hbm>>)
    %dma_wait3A_186 = arith.constant 512 : i32
    %dma_wait3A_187 = arith.constant 0 : i32
    %dma_wait3A_188 = tpu.memref_slice %arg6[%dma_wait3A_186, %dma_wait3A_187] : memref<640x128xf32, #tpu.memory_space<vmem>> -> memref<128x128xf32, #tpu.memory_space<vmem>>
    %dma_wait3A_189 = arith.constant 0 : i32
    %dma_wait3A_190 = tpu.memref_slice %arg4[%mul3A_2, %dma_wait3A_189] : memref<819200x128xf32, #tpu.memory_space<hbm>> -> memref<128x128xf32, #tpu.memory_space<hbm>>
    %dma_wait3A_191 = arith.constant 0 : i32
    %dma_wait3A_192 = tpu.memref_slice %arg4[%mul3A_2, %dma_wait3A_191] : memref<819200x128xf32, #tpu.memory_space<hbm>> -> memref<128x128xf32, #tpu.memory_space<hbm>>
    %dma_wait3A_193 = arith.constant 512 : i32
    %dma_wait3A_194 = arith.constant 0 : i32
    %dma_wait3A_195 = tpu.memref_slice %arg6[%dma_wait3A_193, %dma_wait3A_194] : memref<640x128xf32, #tpu.memory_space<vmem>> -> memref<128x128xf32, #tpu.memory_space<vmem>>
    tpu.wait_dma2 semaphore(%arg16 : memref<!tpu.dma_semaphore, #tpu.memory_space<semaphore_mem>>) src(%dma_wait3A_195 : memref<128x128xf32, #tpu.memory_space<vmem>>) dst(%dma_wait3A_192 : memref<128x128xf32, #tpu.memory_space<hbm>>)
    return
  }
}

</mosaic_0001>

<sc_bundles>
// kernel: _embed.3.cloned.1.call-start
scs
__scs_entry_jumppad:
0x0: {  	(pc) =	sbr.rel $0x88, $3  }
0x1: {  	(tag) =	ssettag $0x0;
	lr =	simm.s32 $0x1  }
0x2: {  	[smem:$0x3F9F] =	sst lr;
	_ =	strace $0xD0000000  }
0x3: {  	_ = 	snop  }
0x4: {  	_ = 	snop  }
0x5: {  	_ = 	snop  }
0x6: {  	_ = 	snop  }
0x7: {  	_ = 	snop  }
__scs_overlays_trampoline_lowered:
0x8: {  	[smem:$0x3FAE] =	sst s0  }
0x9: {  	[smem:$0x3FAF] =	sst s1  }
0xa: {  	[smem:$0x3FB0] =	sst s2  }
0xb: {  	[smem:$0x3FB1] =	sst s3  }
0xc: {  	[smem:$0x3FB2] =	sst s4  }
0xd: {  	[smem:$0x3FB3] =	sst s5  }
0xe: {  	[smem:$0x3FB4] =	sst s6  }
0xf: {  	[smem:$0x3FB5] =	sst s7  }
0x10: {  	[smem:$0x3FB6] =	sst s8  }
0x11: {  	[smem:$0x3FB7] =	sst s9;
	s0 =	simm.s32 @!p0 $0x0  }
0x12: {  	s1 =	sld [smem:$0x3F9D];
	s0 =	simm.s32 @p0 $0x1  }
0x13: {  	[smem:$0x3FB8] =	sst s0;
	s0 =	simm.s32 @!p1 $0x0  }
0x14: {  	s2 =	sld [smem:$0x3F9C];
	s0 =	simm.s32 @p1 $0x1  }
0x15: {  	[smem:$0x3FB9] =	sst s0;
	s0 =	simm.s32 @!p2 $0x0  }
0x16: {  	s3 =	sld [smem:$0x3FDB];
	s0 =	simm.s32 @p2 $0x1  }
0x17: {  	s4 =	simm.s32 $0x1BF5;
	[smem:$0x3FBB] =	sst s0  }
0x18: {  	s0 =	sld [smem:$0x3F9E];
	_ =	swait.ge [sflag:s4], $0x0  }
0x19: {  	s7 =	sld [smem:$0x3F9F]  }
0x1a: {  	s8 =	sadd.s32 $0xFFFFE003, lr  }
0x1b: {  	s9 =	sadd.s32 $0xFFFFFEF7, lr;
	s5 =	simm.s32 $0xFFFFFFFF;
	p2 =	slt.u32 s8, $0xFFFFF086  }
0x1c: {  	p1 =	slt.u32 s9, $0xF7A;
	s5 =	simm.s32 @!p2 $0x0  }
0x1d: {  	s5 =	simm.s32 @p1 $0x1;
	p0 =	seq.s32 s7, s2  }
0x1e: {  	s7 =	smul.u32 @!p0 $0xF7A, s2;
	p2 =	seq.s32 @!p0 s5, $0x0  }
0x1f: {  	s9 =	smul.u32 $0xF7A, s1;
	s8 =	simm.s32 @!p0 $0x1BF5;
	p2 =	por !p2, p0  }
0x20: {  	[sflag:s8] =	ssyncset.s32 @!p0 $0xFFFFF086;
	s6 =	sadd.s32 @!p0 s3, s7;
	s7 =	simm.s32 @!p0 $0x108  }
0x21: {  	s3 =	sadd.s32 s3, s9;
	s6 =	sadd.s32 @!p0 $0x88, s6;
	s7 =	simm.s32 @p2 $0x1082  }
0x22: {  	[simem:s7], [sflag:s8] =	dma.local @!p0 [hbm:s6], $0xF7A  }
0x23: {  	s9 =	sor.u32 $0xD0000000, s2;
	s6 =	simm.s32 $0x108;
	_ =	swait.ge @!p0 [sflag:s8], $0x0  }
0x24: {  	s3 =	sadd.s32 $0x88, s3;
	s6 =	simm.s32 @!p1 $0x1082;
	[sflag:s4] =	ssyncset.s32 $0xFFFFF086  }
0x25: {  	[simem:s6], [sflag:s4] =	dma.local [hbm:s3], $0xF7A  }
0x26: {  	[smem:$0x3F9F] =	sst s1;
	(tag) =	ssettag s2;
	_ =	strace s9  }
0x27: {  	s1 =	sld [smem:$0x3FAF]  }
0x28: {  	s2 =	sld [smem:$0x3FB0]  }
0x29: {  	s4 =	sld [smem:$0x3FB2]  }
0x2a: {  	p0 =	seq.s32 s5, $0x0;
	s5 =	sld [smem:$0x3FB3]  }
0x2b: {  	s6 =	sld [smem:$0x3FB4]  }
0x2c: {  	s7 =	sld [smem:$0x3FB5]  }
0x2d: {  	s3 =	simm.s32 $0x108;
	s8 =	sld [smem:$0x3FB6]  }
0x2e: {  	s3 =	simm.s32 @!p0 $0x1082;
	s9 =	sld [smem:$0x3FB7]  }
0x2f: {  	lr =	sadd.s32 s0, s3;
	s0 =	sld [smem:$0x3FAE]  }
0x30: {  	s3 =	sld [smem:$0x3FB1]  }
0x31: {  	[smem:$0x3FBA] =	sst s10  }
0x32: {  	s10 =	sld [smem:$0x3FB8];
	_ =	sdelay $0x3  }
0x33: {  	p0 =	seq.s32 s10, $0x1;
	s10 =	sld [smem:$0x3FBA];
	_ =	sdelay $0x3  }
0x34: {  	[smem:$0x3FBA] =	sst s10  }
0x35: {  	s10 =	sld [smem:$0x3FB9];
	_ =	sdelay $0x3  }
0x36: {  	p1 =	seq.s32 s10, $0x1;
	s10 =	sld [smem:$0x3FBA];
	_ =	sdelay $0x3  }
0x37: {  	[smem:$0x3FBA] =	sst s10  }
0x38: {  	s10 =	sld [smem:$0x3FBB]  }
0x39: {  	_ = 	snop;
	(pc) =	sbr.ind lr, $3  }
0x3a: {  	_ = 	snop  }
0x3b: {  	_ = 	snop  }
0x3c: {  	p2 =	seq.s32 s10, $0x1;
	s10 =	sld [smem:$0x3FBA]  }
0x3d: {  	_ =	shalt  }
0x3e: {  	_ =	shalt  }
0x3f: {  	_ =	shalt  }
0x40: {  	_ =	shalt  }
0x41: {  	_ =	shalt  }
0x42: {  	_ =	shalt  }
0x43: {  	_ =	shalt  }
0x44: {  	_ =	shalt  }
0x45: {  	_ =	shalt  }
0x46: {  	_ =	shalt  }
0x47: {  	_ =	shalt  }
0x48: {  	_ =	shalt  }
0x49: {  	_ =	shalt  }
0x4a: {  	_ =	shalt  }
0x4b: {  	_ =	shalt  }
0x4c: {  	_ =	shalt  }
0x4d: {  	_ =	shalt  }
0x4e: {  	_ =	shalt  }
0x4f: {  	_ =	shalt  }
0x50: {  	_ =	shalt  }
0x51: {  	_ =	shalt  }
0x52: {  	_ =	shalt  }
0x53: {  	_ =	shalt  }
0x54: {  	_ =	shalt  }
0x55: {  	_ =	shalt  }
0x56: {  	_ =	shalt  }
0x57: {  	_ =	shalt  }
0x58: {  	_ =	shalt  }
0x59: {  	_ =	shalt  }
0x5a: {  	_ =	shalt  }
0x5b: {  	_ =	shalt  }
0x5c: {  	_ =	shalt  }
0x5d: {  	_ =	shalt  }
0x5e: {  	_ =	shalt  }
0x5f: {  	_ =	shalt  }
0x60: {  	_ =	shalt  }
0x61: {  	_ =	shalt  }
0x62: {  	_ =	shalt  }
0x63: {  	_ =	shalt  }
0x64: {  	_ =	shalt  }
0x65: {  	_ =	shalt  }
0x66: {  	_ =	shalt  }
0x67: {  	_ =	shalt  }
0x68: {  	_ =	shalt  }
0x69: {  	_ =	shalt  }
0x6a: {  	_ =	shalt  }
0x6b: {  	_ =	shalt  }
0x6c: {  	_ =	shalt  }
0x6d: {  	_ =	shalt  }
0x6e: {  	_ =	shalt  }
0x6f: {  	_ =	shalt  }
0x70: {  	_ =	shalt  }
0x71: {  	_ =	shalt  }
0x72: {  	_ =	shalt  }
0x73: {  	_ =	shalt  }
0x74: {  	_ =	shalt  }
0x75: {  	_ =	shalt  }
0x76: {  	_ =	shalt  }
0x77: {  	_ =	shalt  }
0x78: {  	_ =	shalt  }
0x79: {  	_ =	shalt  }
0x7a: {  	_ =	shalt  }
0x7b: {  	_ =	shalt  }
0x7c: {  	_ =	shalt  }
0x7d: {  	_ =	shalt  }
0x7e: {  	_ =	shalt  }
0x7f: {  	_ =	shalt  }
0x80: {  	_ =	shalt  }
0x81: {  	_ =	shalt  }
0x82: {  	_ =	shalt  }
0x83: {  	_ =	shalt  }
0x84: {  	_ =	shalt  }
0x85: {  	_ =	shalt  }
0x86: {  	_ =	shalt  }
0x87: {  	_ =	shalt  }
.Lfunc_end0:
.L_simem_size_0:
called_computation_lowered:
.L_overlay_start_0:
0x88: {  	s2 =	sld [smem:$0x3FD9]  }
0x89: {  	s3 =	sld [smem:$0x3FFE];
	_ =	sdelay $0x1  }
0x8a: {  	s1 =	srdreg.scid  }
0x8b: {  	s0 =	sand.u32 $0x1, s1  }
0x8c: {  	s18 =	sshll.u32 s0, $0xA;
	s2 =	sadd.s32 s3, s2  }
0x8d: {  	s2 =	sadd.s32 s2, s18  }
0x8e: {  	[smem:$0x3FC6] =	sst s2  }
0x8f: {  	_ = 	snop  }
0x90: {  	s2 =	sld [smem:$0x3FC9]  }
0x91: {  	s19 =	sld [smem:$0x3FC8]  }
0x92: {  	s4 =	sld [smem:$0x3FD0];
	(tm) =	ssettm $0x1  }
0x93: {  	s5 =	sld [smem:$0x3FFB];
	_ =	sdelay $0x3  }
0x94: {  	_ =	strace s5  }
0x95: {  	s5 =	sld [smem:$0x3FFC];
	_ =	sdelay $0x3  }
0x96: {  	_ =	strace s5  }
0x97: {  	s5 =	sld [smem:$0x3FFD];
	_ =	sdelay $0x3  }
0x98: {  	_ =	strace s5  }
0x99: {  	_ =	strace $0x8FFFFFFF  }
0x9a: {  	s20 =	sld [smem:$0x3FDB];
	_ =	sdelay $0x1  }
0x9b: {  	s6 =	simm.s32 $_scs_section_size  }
0x9c: {  	s7 =	simm.s32 $_size__tile_overlayer_lowered;
	s8 =	simm.s32 $_tile_overlayer_lowered  }
0x9d: {  	s23 =	simm.s32 $0x1BFF;
	s22 =	sshll.u32 s8, $0x1;
	s5 =	sadd.s32 s6, s20  }
0x9e: {  	s9 =	simm.s32 $0x0;
	s21 =	sshll.u32 s7, $0x1;
	s7 =	sadd.s32 s22, s5  }
0x9f: {  	[timem:s9], [sflag:s23] =	dma.local [hbm:s7], s21  }
0xa0: {  	_ =	swait.ge [sflag:s23], s21  }
0xa1: {  	s6 =	ssub.s32 $0x0, s21;
	[sflag:s23] =	ssyncset.done $0x0  }
0xa2: {  	[sflag:s23] =	ssyncadd.s32 s6;
	_ =	sdelay $0x1  }
0xa3: {  	s24 =	simm.s32 $0x1B8B  }
0xa4: {  	_ =	swait.ge [sflag:s24], $0x1  }
0xa5: {  	[sflag:s24] =	ssyncset.done $0x0  }
0xa6: {  	s25 =	simm.s32 $0x1B8E;
	[sflag:s24] =	ssyncadd.s32 $0xFFFFFFFF  }
0xa7: {  	s26 =	simm.s32 $execute0_lowered;
	[smem:$0x3FD2] =	sst s25  }
0xa8: {  	s6 =	sshll.u32 s26, $0x1;
	_ =	strace $0x80000046;
	[dreg:$0x1] =	wrdreg $0xFFFFFFFF  }
0xa9: {  	s28 =	simm.s32 $_size_execute0_lowered;
	s5 =	sadd.s32 s5, s6;
	[dreg:$0x0] =	wrdreg $0x0  }
0xaa: {  	s6 =	sshll.u32 s28, $0x1;
	[dreg:$0x2] =	wrdreg s5  }
0xab: {  	[dreg:$0x3] =	wrdreg s6  }
0xac: {  	[dreg:$0x4] =	wrdreg $0xC0  }
0xad: {  	_ =	task [dreg:s9], $0x5FFFF  }
0xae: {  	[dreg:$0x1] =	wrdreg $0xFFFFFFFF  }
0xaf: {  	[dreg:$0x0] =	wrdreg $0x60  }
0xb0: {  	[dreg:$0x2] =	wrdreg s19  }
0xb1: {  	[dreg:$0x3] =	wrdreg s2  }
0xb2: {  	[dreg:$0x4] =	wrdreg s4  }
0xb3: {  	[dreg:$0x5] =	wrdreg $0x9  }
0xb4: {  	_ =	task.clear_ibuf [dreg:s9], $0x6FFFF;
	_ =	strace $0x90000046  }
0xb5: {  	s29 =	simm.s32 $0x9;
	_ =	strace $0x80000048  }
0xb6: {  	_ =	swait.ge [sflag:s29], $0x1  }
0xb7: {  	[sflag:s29] =	ssyncadd.s32 $0xFFFFFFFF  }
0xb8: {  	_ =	strace $0x90000048  }
0xb9: {  	_ =	sfence  }
0xba: {  	s30 =	sld [smem:$0x0];
	_ =	sdelay $0x2  }
0xbb: {  	s31 =	sshll.u32 s1, $0xD;
	s1 =	sshrl.u32 s1, $0x2  }
0xbc: {  	s3 =	sand.u32 $0x4000, s31;
	s1 =	sadd.s32 s1, s30  }
0xbd: {  	s0 =	sor.u32 s3, s0;
	s1 =	sshll.u32 s1, $0x11  }
0xbe: {  	s0 =	sor.u32 s1, s0  }
0xbf: {  	s0 =	sadd.s32 $0x8F2B, s0  }
0xc0: {  	[sflag:s0] =	ssyncadd.remote.s32 $0x1  }
0xc1: {  	_ =	sfence.sel $0xFFFF  }
0xc2: {  	[dreg:$0x0] =	wrdreg $0xFFFFFFFF;
	(pc) =	sbr.abs _section_cstart, $3  }
0xc3: {  	[dreg:$0x1] =	wrdreg $0xFFFFFFFF  }
0xc4: {  	_ =	task.clear_ibuf [dreg:s9], $0x2FFFF;
	_ =	strace $0x9FFFFFFF  }
0xc5: {  	(tm) =	ssettm $0x7FFFFFFF  }
tec
execute0_lowered:
.L_overlay_start_1:
0x0: {  	(tag) =	ssettag $0x1  }
0x1: {  	s1 =	rddreg [dreg:$0x0]  }
0x2: {  	s0 =	rddreg [dreg:$0x1];
	s2 =	srdreg.scid  }
0x3: {  	s12 =	stileid.u32;
	s9 =	rddreg [dreg:$0x2];
	s13 =	simm.s32 $0x80  }
0x4: {  	s14 =	simm.s32 $0x6400;
	s15 =	simm.s32 $0xA400;
	s17 =	simm.s32 $0xE400  }
0x5: {  	s19 =	simm.s32 $0x12400;
	s21 =	simm.s32 $0x16400;
	s28 =	simm.s32 $0x5  }
0x6: {  	s29 =	simm.s32 $0x7;
	s30 =	simm.s32 $0x8;
	s31 =	simm.s32 $0x9  }
0x7: {  	s2 =	sand.u32 $0x1, s2;
	s3 =	sshll.u32 s12, $0x1;
	s23 =	smul.u32 $0xC8000, s12  }
0x8: {  	s12 =	simm.s32 $0xB;
	s4 =	sor.u32 s2, s3;
	s24 =	smul.u32 $0x64000, s2  }
0x9: {  	s3 =	simm.s32 $0x0;
	s5 =	ssub.s32 $0x2, s2;
	s6 =	smul.u32 $0x6400, s4  }
0xa: {  	[smem:$0x7FF] =	sst s3;
	s7 =	sshrl.u32 s5, $0x1;
	s8 =	smul.u32 $0x64000, s4  }
0xb: {  	s11 =	smul.u32 $0x320000, s4;
	s26 =	sadd.s32 s23, s9;
	s23 =	simm.s32 $0x2  }
0xc: {  	_ =	strace $0x80000047;
	s10 =	ssub.s32 s5, s7;
	s22 =	sshrl.u32 s6, $0x3  }
0xd: {  	s4 =	sadd.s32 s9, s8;
	s25 =	sshrl.u32 s11, $0x3;
	s10 =	smax.u32 s10, $0x1  }
0xe: {  	s0 =	sadd.s32 s0, s22;
	s6 =	sadd.s32 $0x800, s4;
	s7 =	sadd.s32 $0x1000, s4  }
0xf: {  	s8 =	sadd.s32 $0x1800, s4;
	s2 =	sadd.s32 s9, s25;
	s22 =	simm.s32 $0x1  }
0x10: {  	s25 =	simm.s32 $0x4;
	[dreg:$0x4] =	wrdreg s0;
	s0 =	sadd.s32 s24, s26  }
0x11: {  	s9 =	sadd.s32 $0x63800, s2;
	s24 =	simm.s32 $0x3;
	s26 =	simm.s32 $0x6  }
0x12: {  	s2 =	simm.s32 $0xA;
	s11 =	sadd.s32 $0x2000, s0;
	s0 =	simm.s32 $0x0  }
.LBB2_1:
0x13: {  	s5 =	rddreg [dreg:$0x4]  }
0x14: {  	[tilespmem:s3], [sflag:$0xB] =	stream.linear.gather [hbm4b:s5+s3], $0x6400, $0x38;
	[tilespmem:$0x1A400] =	vst v63  }
0x15: {  	_ =	swait.ge [sflag:s12], $0x6400  }
0x16: {  	[sflag:s12] =	ssyncset.done $0x0  }
0x17: {  	[sflag:s12] =	ssyncadd.s32 $0xFFFF9C00  }
0x18: {  	[tilespmem:s14], [sflag:$0x1] =	stream.indirect.gather [hbm4b:s1+s13], $0x80, s3, s13, $0xb8;
	[tilespmem:$0x1A400] =	vst v63  }
0x19: {  	_ = 	snop  }
0x1a: {  	[tilespmem:s15], [sflag:$0x2] =	stream.indirect.gather [hbm4b:s1+s13], $0x80, s13, s13, $0xb8;
	[tilespmem:$0x1A400] =	vst v63  }
0x1b: {  	s20 =	simm.s32 $0x100  }
0x1c: {  	[tilespmem:s17], [sflag:$0x3] =	stream.indirect.gather [hbm4b:s1+s13], $0x80, s20, s13, $0xb8;
	[tilespmem:$0x1A400] =	vst v63  }
0x1d: {  	s16 =	simm.s32 $0x180  }
0x1e: {  	[tilespmem:s19], [sflag:$0x4] =	stream.indirect.gather [hbm4b:s1+s13], $0x80, s16, s13, $0xb8;
	[tilespmem:$0x1A400] =	vst v63  }
0x1f: {  	s18 =	simm.s32 $0x200  }
0x20: {  	[tilespmem:s21], [sflag:$0x5] =	stream.indirect.gather [hbm4b:s1+s13], $0x80, s18, s13, $0xb8;
	[tilespmem:$0x1A400] =	vst v63  }
0x21: {  	_ =	swait.ge [sflag:s22], $0x4000  }
0x22: {  	[sflag:s22] =	ssyncset.done $0x0  }
0x23: {  	[sflag:s22] =	ssyncadd.s32 $0xFFFFC000  }
0x24: {  	[hbm4b:s4+s3] =	stream.linear.scatter [tilespmem:s14], [sflag:$0x6], $0x4000, $0x38;
	[tilespmem:$0x1A400] =	vst v63  }
0x25: {  	_ =	swait.ge [sflag:s23], $0x4000  }
0x26: {  	[sflag:s23] =	ssyncset.done $0x0  }
0x27: {  	[sflag:s23] =	ssyncadd.s32 $0xFFFFC000  }
0x28: {  	[hbm4b:s6+s3] =	stream.linear.scatter [tilespmem:s15], [sflag:$0x7], $0x4000, $0x38;
	[tilespmem:$0x1A400] =	vst v63  }
0x29: {  	_ =	swait.ge [sflag:s24], $0x4000  }
0x2a: {  	[sflag:s24] =	ssyncset.done $0x0  }
0x2b: {  	[sflag:s24] =	ssyncadd.s32 $0xFFFFC000  }
0x2c: {  	[hbm4b:s7+s3] =	stream.linear.scatter [tilespmem:s17], [sflag:$0x8], $0x4000, $0x38;
	[tilespmem:$0x1A400] =	vst v63  }
0x2d: {  	_ =	swait.ge [sflag:s25], $0x4000  }
0x2e: {  	[sflag:s25] =	ssyncset.done $0x0  }
0x2f: {  	[sflag:s25] =	ssyncadd.s32 $0xFFFFC000  }
0x30: {  	[hbm4b:s8+s3] =	stream.linear.scatter [tilespmem:s19], [sflag:$0x9], $0x4000, $0x38;
	[tilespmem:$0x1A400] =	vst v63  }
0x31: {  	_ =	swait.ge [sflag:s26], $0x4000  }
0x32: {  	[sflag:s26] =	ssyncset.done $0x0  }
0x33: {  	s16 =	simm.s32 $0x280;
	[sflag:s26] =	ssyncadd.s32 $0xFFFFC000  }
0x34: {  	[tilespmem:s14], [sflag:$0x1] =	stream.indirect.gather [hbm4b:s1+s13], $0x80, s16, s13, $0xb8;
	[tilespmem:$0x1A400] =	vst v63  }
0x35: {  	_ =	swait.ge [sflag:s28], $0x4000  }
0x36: {  	[sflag:s28] =	ssyncset.done $0x0  }
0x37: {  	[sflag:s28] =	ssyncadd.s32 $0xFFFFC000  }
0x38: {  	[hbm4b:s11+s3] =	stream.linear.scatter [tilespmem:s21], [sflag:$0xA], $0x4000, $0x38;
	[tilespmem:$0x1A400] =	vst v63  }
0x39: {  	_ =	swait.ge [sflag:s29], $0x4000  }
0x3a: {  	[sflag:s29] =	ssyncset.done $0x0  }
0x3b: {  	s20 =	simm.s32 $0x300;
	[sflag:s29] =	ssyncadd.s32 $0xFFFFC000  }
0x3c: {  	[tilespmem:s15], [sflag:$0x2] =	stream.indirect.gather [hbm4b:s1+s13], $0x80, s20, s13, $0xb8;
	[tilespmem:$0x1A400] =	vst v63  }
0x3d: {  	_ =	swait.ge [sflag:s22], $0x4000  }
0x3e: {  	[sflag:s22] =	ssyncset.done $0x0  }
0x3f: {  	s5 =	sadd.s32 $0x800, s11;
	[sflag:s22] =	ssyncadd.s32 $0xFFFFC000  }
0x40: {  	[hbm4b:s5+s3] =	stream.linear.scatter [tilespmem:s14], [sflag:$0x6], $0x4000, $0x38;
	[tilespmem:$0x1A400] =	vst v63  }
0x41: {  	_ =	swait.ge [sflag:s30], $0x4000  }
0x42: {  	[sflag:s30] =	ssyncset.done $0x0  }
0x43: {  	s18 =	simm.s32 $0x380;
	[sflag:s30] =	ssyncadd.s32 $0xFFFFC000  }
0x44: {  	[tilespmem:s17], [sflag:$0x3] =	stream.indirect.gather [hbm4b:s1+s13], $0x80, s18, s13, $0xb8;
	[tilespmem:$0x1A400] =	vst v63  }
0x45: {  	_ =	swait.ge [sflag:s23], $0x4000  }
0x46: {  	[sflag:s23] =	ssyncset.done $0x0  }
0x47: {  	s20 =	sadd.s32 $0x1000, s11;
	[sflag:s23] =	ssyncadd.s32 $0xFFFFC000  }
0x48: {  	[hbm4b:s20+s3] =	stream.linear.scatter [tilespmem:s15], [sflag:$0x7], $0x4000, $0x38;
	[tilespmem:$0x1A400] =	vst v63  }
0x49: {  	_ =	swait.ge [sflag:s31], $0x4000  }
0x4a: {  	[sflag:s31] =	ssyncset.done $0x0  }
0x4b: {  	s5 =	simm.s32 $0x400;
	[sflag:s31] =	ssyncadd.s32 $0xFFFFC000  }
0x4c: {  	[tilespmem:s19], [sflag:$0x4] =	stream.indirect.gather [hbm4b:s1+s13], $0x80, s5, s13, $0xb8;
	[tilespmem:$0x1A400] =	vst v63  }
0x4d: {  	_ =	swait.ge [sflag:s24], $0x4000  }
0x4e: {  	[sflag:s24] =	ssyncset.done $0x0  }
0x4f: {  	s18 =	sadd.s32 $0x1800, s11;
	[sflag:s24] =	ssyncadd.s32 $0xFFFFC000  }
0x50: {  	[hbm4b:s18+s3] =	stream.linear.scatter [tilespmem:s17], [sflag:$0x8], $0x4000, $0x38;
	[tilespmem:$0x1A400] =	vst v63  }
0x51: {  	_ =	swait.ge [sflag:s2], $0x4000  }
0x52: {  	[sflag:s2] =	ssyncset.done $0x0  }
0x53: {  	s20 =	simm.s32 $0x480;
	[sflag:s2] =	ssyncadd.s32 $0xFFFFC000  }
0x54: {  	[tilespmem:s21], [sflag:$0x5] =	stream.indirect.gather [hbm4b:s1+s13], $0x80, s20, s13, $0xb8;
	[tilespmem:$0x1A400] =	vst v63  }
0x55: {  	_ =	swait.ge [sflag:s25], $0x4000  }
0x56: {  	s16 =	simm.s32 $0xA00;
	[sflag:s25] =	ssyncset.done $0x0  }
0x57: {  	s18 =	sadd.s32 $0x2800, s11;
	s20 =	sadd.s32 $0x2000, s11;
	[sflag:s25] =	ssyncadd.s32 $0xFFFFC000  }
.LBB2_2:
0x58: {  	[hbm4b:s20+s3] =	stream.linear.scatter [tilespmem:s19], [sflag:$0x9], $0x4000, $0x38;
	[tilespmem:$0x1A400] =	vst v63  }
0x59: {  	s20 =	smov.u32 s16  }
0x5a: {  	p0 =	sne.s32 s16, $0x17C00;
	s16 =	sadd.s32 $0xA00, s16;
	_ =	swait.ge [sflag:s26], $0x4000  }
0x5b: {  	s20 =	sshra.s32 s20, $0x2;
	[sflag:s26] =	ssyncset.done $0x0  }
0x5c: {  	s5 =	sadd.s32 $0x280, s20;
	[sflag:s26] =	ssyncadd.s32 $0xFFFFC000  }
0x5d: {  	[tilespmem:s14], [sflag:$0x1] =	stream.indirect.gather [hbm4b:s1+s13], $0x80, s5, s13, $0xb8;
	[tilespmem:$0x1A400] =	vst v63  }
0x5e: {  	_ =	swait.ge [sflag:s28], $0x4000  }
0x5f: {  	[sflag:s28] =	ssyncset.done $0x0  }
0x60: {  	[sflag:s28] =	ssyncadd.s32 $0xFFFFC000  }
0x61: {  	[hbm4b:s18+s3] =	stream.linear.scatter [tilespmem:s21], [sflag:$0xA], $0x4000, $0x38;
	[tilespmem:$0x1A400] =	vst v63  }
0x62: {  	_ =	swait.ge [sflag:s29], $0x4000  }
0x63: {  	[sflag:s29] =	ssyncset.done $0x0  }
0x64: {  	s5 =	sadd.s32 $0x300, s20;
	[sflag:s29] =	ssyncadd.s32 $0xFFFFC000  }
0x65: {  	[tilespmem:s15], [sflag:$0x2] =	stream.indirect.gather [hbm4b:s1+s13], $0x80, s5, s13, $0xb8;
	[tilespmem:$0x1A400] =	vst v63  }
0x66: {  	_ =	swait.ge [sflag:s22], $0x4000  }
0x67: {  	[sflag:s22] =	ssyncset.done $0x0  }
0x68: {  	s5 =	sadd.s32 $0x800, s18;
	[sflag:s22] =	ssyncadd.s32 $0xFFFFC000  }
0x69: {  	[hbm4b:s5+s3] =	stream.linear.scatter [tilespmem:s14], [sflag:$0x6], $0x4000, $0x38;
	[tilespmem:$0x1A400] =	vst v63  }
0x6a: {  	_ =	swait.ge [sflag:s30], $0x4000  }
0x6b: {  	[sflag:s30] =	ssyncset.done $0x0  }
0x6c: {  	s5 =	sadd.s32 $0x380, s20;
	[sflag:s30] =	ssyncadd.s32 $0xFFFFC000  }
0x6d: {  	[tilespmem:s17], [sflag:$0x3] =	stream.indirect.gather [hbm4b:s1+s13], $0x80, s5, s13, $0xb8;
	[tilespmem:$0x1A400] =	vst v63  }
0x6e: {  	_ =	swait.ge [sflag:s23], $0x4000  }
0x6f: {  	[sflag:s23] =	ssyncset.done $0x0  }
0x70: {  	s5 =	sadd.s32 $0x1000, s18;
	[sflag:s23] =	ssyncadd.s32 $0xFFFFC000  }
0x71: {  	[hbm4b:s5+s3] =	stream.linear.scatter [tilespmem:s15], [sflag:$0x7], $0x4000, $0x38;
	[tilespmem:$0x1A400] =	vst v63  }
0x72: {  	_ =	swait.ge [sflag:s31], $0x4000  }
0x73: {  	[sflag:s31] =	ssyncset.done $0x0  }
0x74: {  	s5 =	sadd.s32 $0x400, s20;
	[sflag:s31] =	ssyncadd.s32 $0xFFFFC000  }
0x75: {  	[tilespmem:s19], [sflag:$0x4] =	stream.indirect.gather [hbm4b:s1+s13], $0x80, s5, s13, $0xb8;
	[tilespmem:$0x1A400] =	vst v63  }
0x76: {  	_ =	swait.ge [sflag:s24], $0x4000  }
0x77: {  	[sflag:s24] =	ssyncset.done $0x0  }
0x78: {  	s5 =	sadd.s32 $0x1800, s18;
	[sflag:s24] =	ssyncadd.s32 $0xFFFFC000  }
0x79: {  	[hbm4b:s5+s3] =	stream.linear.scatter [tilespmem:s17], [sflag:$0x8], $0x4000, $0x38;
	[tilespmem:$0x1A400] =	vst v63  }
0x7a: {  	_ =	swait.ge [sflag:s2], $0x4000  }
0x7b: {  	[sflag:s2] =	ssyncset.done $0x0  }
.Ltmp0:
0x7c: {  	s5 =	sadd.s32 $0x480, s20;
	[sflag:s2] =	ssyncadd.s32 $0xFFFFC000;
	(pc) =	sbr.rel @p0 .LBB2_2-.Ltmp0, $4  }
0x7d: {  	[tilespmem:s21], [sflag:$0x5] =	stream.indirect.gather [hbm4b:s1+s13], $0x80, s5, s13, $0xb8;
	[tilespmem:$0x1A400] =	vst v63  }
0x7e: {  	_ =	swait.ge [sflag:s25], $0x4000  }
0x7f: {  	[sflag:s25] =	ssyncset.done $0x0  }
0x80: {  	s20 =	sadd.s32 $0x2000, s18;
	s18 =	sadd.s32 $0x2800, s18;
	[sflag:s25] =	ssyncadd.s32 $0xFFFFC000  }
0x81: {  	[hbm4b:s20+s3] =	stream.linear.scatter [tilespmem:s19], [sflag:$0x9], $0x4000, $0x38;
	[tilespmem:$0x1A400] =	vst v63  }
0x82: {  	_ =	swait.ge [sflag:s28], $0x4000  }
0x83: {  	[sflag:s28] =	ssyncset.done $0x0  }
0x84: {  	[sflag:s28] =	ssyncadd.s32 $0xFFFFC000  }
0x85: {  	[hbm4b:s9+s3] =	stream.linear.scatter [tilespmem:s21], [sflag:$0xA], $0x4000, $0x38;
	[tilespmem:$0x1A400] =	vst v63  }
0x86: {  	_ =	swait.ge [sflag:s26], $0x4000  }
0x87: {  	[sflag:s26] =	ssyncset.done $0x0  }
0x88: {  	[sflag:s26] =	ssyncadd.s32 $0xFFFFC000  }
0x89: {  	_ =	swait.ge [sflag:s29], $0x4000  }
0x8a: {  	[sflag:s29] =	ssyncset.done $0x0  }
0x8b: {  	[sflag:s29] =	ssyncadd.s32 $0xFFFFC000  }
0x8c: {  	_ =	swait.ge [sflag:s30], $0x4000  }
0x8d: {  	[sflag:s30] =	ssyncset.done $0x0  }
0x8e: {  	s0 =	sadd.s32 $0x1, s0;
	[sflag:s30] =	ssyncadd.s32 $0xFFFFC000  }
0x8f: {  	p0 =	sne.s32 s0, s10;
	_ =	swait.ge [sflag:s31], $0x4000  }
.Ltmp1:
0x90: {  	[sflag:s31] =	ssyncset.done $0x0;
	(pc) =	sbr.rel @p0 .LBB2_1-.Ltmp1, $4  }
0x91: {  	[sflag:s31] =	ssyncadd.s32 $0xFFFFC000  }
0x92: {  	_ =	swait.ge [sflag:s2], $0x4000  }
0x93: {  	[sflag:s2] =	ssyncset.done $0x0  }
0x94: {  	[sflag:s2] =	ssyncadd.s32 $0xFFFFC000  }
0x95: {  	_ =	sfence.sel $0x180000  }
0x96: {  	[bflag:$0x0] =	sbarrier.arrive $0xFFFF  }
0x97: {  	_ =	strace $0x90000047  }
0x98: {  	s0 =	stileid.u32;
	[bflag:$0x2] =	sbarrier.arrive $0xFFFF  }
0x99: {  	p0 =	sne.s32 s0, $0x0;
	s0 =	rddreg [dreg:$0x3]  }
0x9a: {  	s0 =	sadd.s32 @!p0 $0x100000, s0  }
0x9b: {  	[sflag:s0] =	ssyncadd.tile.s32 @!p0 $0x1;
	_ =	shalt  }
.Lfunc_end2:
_tile_overlayer_lowered:
.L_overlay_start_2:
0x9c: {  	(tag) =	ssettag $0x2  }
0x9d: {  	s0 =	rddreg [dreg:$0x0];
	s2 =	stileid.u32  }
0x9e: {  	s1 =	rddreg [dreg:$0x1];
	p0 =	sne.s32 s2, $0x0  }
0x9f: {  	s3 =	rddreg [dreg:$0x2];
	[bflag:$0x3] =	sbarrier.arrive $0xFFFF;
	s2 =	simm.s32 @!p0 $0x1C0B  }
0xa0: {  	[timem:s3], [sflag:s2] =	dma.local @!p0 [hbm:s0], s1  }
0xa1: {  	s0 =	simm.s32 @!p0 $0xB  }
0xa2: {  	_ =	swait.ge @!p0 [sflag:s0], s1  }
0xa3: {  	s1 =	ssub.s32 @!p0 $0x0, s1;
	[sflag:s0] =	ssyncset.done @!p0 $0x0  }
0xa4: {  	[sflag:s0] =	ssyncadd.s32 @!p0 s1  }
0xa5: {  	[bflag:$0x3] =	sbarrier.arrive $0xFFFF  }
0xa6: {  	_ =	shalt  }

</sc_bundles>
